<compile_context>
chip_gen: v7x
topology: tpu7x:2x2x1
jax: 0.10.2.dev20260603
libtpu: 0.0.44.dev20260713+nightly
codegen_flags: <defaults>
</compile_context>

<pallas_src>
import functools

import jax
import jax.numpy as jnp
from jax import lax
from jax.experimental import pallas as pl
from jax.experimental.pallas import tpu as pltpu
from jax.experimental.pallas import tpu_sc as plsc

_D = 768
_NC = 2
_NS = 16
_NW = _NC * _NS
_B = 4 * 8192
_BPW = _B // _NW
_CHUNK = 128
_NBUF = 1
_NCHUNK = _BPW // _CHUNK


def _make_gather():
    mesh = plsc.VectorSubcoreMesh(core_axis_name="c", subcore_axis_name="s")

    @functools.partial(
        pl.kernel,
        mesh=mesh,
        out_type=jax.ShapeDtypeStruct((_B, _D), jnp.float32),
        scratch_types=[
            pltpu.VMEM((_BPW,), jnp.int32),
        ]
        + [pltpu.VMEM((_CHUNK, _D), jnp.float32) for _ in range(_NBUF)]
        + [
            pltpu.SemaphoreType.DMA,
            pltpu.SemaphoreType.DMA,
        ],
    )
    def gather_kernel(table_hbm, idx_hbm, out_hbm, idx_v, *rest):
        bufs = rest[:_NBUF]
        sem_g, sem_w = rest[_NBUF:]
        wid = lax.axis_index("s") * _NC + lax.axis_index("c")
        base = wid * _BPW
        pltpu.sync_copy(idx_hbm.at[pl.ds(base, _BPW)], idx_v)

        gathers = []
        writes = []

        def start_gather(g):
            gathers.append(
                pltpu.async_copy(
                    table_hbm.at[idx_v.at[pl.ds(g * _CHUNK, _CHUNK)]],
                    bufs[g % _NBUF],
                    sem_g,
                )
            )

        start_gather(0)
        for g in range(_NCHUNK):
            gathers[g].wait()
            writes.append(
                pltpu.async_copy(
                    bufs[0],
                    out_hbm.at[pl.ds(base + g * _CHUNK, _CHUNK)],
                    sem_w,
                )
            )
            if g + 1 < _NCHUNK:
                writes[g].wait()
                start_gather(g + 1)
        writes[-1].wait()

    return gather_kernel


_gather = _make_gather()


def kernel(input_ids, position_ids, pos_table):
    del input_ids
    flat_ids = position_ids.reshape(-1)
    out = _gather(pos_table, flat_ids)
    return out.reshape(position_ids.shape + (pos_table.shape[1],))

# --- scband reference (transcript-rebuilt; emitter-appended) ---
"""Pipeline reference for scband-positional-embedding-57724360458813 (READ-ONLY COPY).

The authoritative reference and input builder live on the scoring server;
editing this copy changes nothing except your own understanding.
"""

import jax, jax.numpy as jnp
import numpy as np

MAX_SEQ_LEN = 8192
D_MODEL = 768
BATCH = 4
SEQ_LEN = 8192
VOCAB = 50257


def setup_inputs(seed: int = 0) -> dict:
    key = jax.random.key(seed)
    k1, k2, k3 = jax.random.split(key, 3)
    input_ids = jax.random.randint(k1, (BATCH, SEQ_LEN), 0, VOCAB, dtype=jnp.int32)
    position_ids = jax.random.randint(k2, (BATCH, SEQ_LEN), 0, MAX_SEQ_LEN, dtype=jnp.int32)
    pos_table = jax.random.normal(k3, (MAX_SEQ_LEN, D_MODEL), dtype=jnp.float32) * 0.02
    return {"input_ids": input_ids, "position_ids": position_ids, "pos_table": pos_table}


def reference(input_ids, position_ids, pos_table):
    # input_ids is only used for shape/device in the original module.
    # If position_ids were None the original builds arange(seq_len) broadcast to batch;
    # here position_ids is provided explicitly.
    batch_size, seq_len = input_ids.shape
    # absolute positional embedding: pure row gather from the learned table
    position_embeddings = jnp.take(pos_table, position_ids, axis=0)
    return position_embeddings

if __name__ == "__main__":
    import jax
    _d = setup_inputs()
    print(jax.jit(kernel)(*tuple(_d.values())))

</pallas_src>

<mosaic_0001>
#map = affine_map<(d0, d1) -> (0, 0)>
#map1 = affine_map<(d0, d1) -> (0)>
module attributes {stable_mosaic.version = 14 : i64} {
  func.func @gather_kernel(%arg0: i32, %arg1: i32, %arg2: memref<8192x768xf32, #tpu.memory_space<hbm>>, %arg3: memref<32768xi32, #tpu.memory_space<hbm>>, %arg4: memref<32768x768xf32, #tpu.memory_space<hbm>>, %arg5: memref<1024xi32, #tpu.memory_space<vmem>>, %arg6: memref<128x768xf32, #tpu.memory_space<vmem>>, %arg7: memref<!tpu.dma_semaphore, #tpu.memory_space<semaphore_mem>>, %arg8: memref<!tpu.dma_semaphore, #tpu.memory_space<semaphore_mem>>) attributes {dimension_semantics = [#tpu.dimension_semantics<core_parallel>, #tpu.dimension_semantics<subcore_parallel>], iteration_bounds = array<i64: 2, 16>, scalar_prefetch = 0 : i64, scratch_operands = 4 : i64, tpu.core_type = #tpu.core_type<sc_vector_subcore>, window_params = [{transform_indices = #map}, {transform_indices = #map1}, {transform_indices = #map}]} {
    %mul3A = arith.constant 2 : i32
    %mul3A_0 = arith.muli %arg1, %mul3A : i32
    %add3A = arith.addi %mul3A_0, %arg0 : i32
    %mul3A_1 = arith.constant 1024 : i32
    %mul3A_2 = arith.muli %add3A, %mul3A_1 : i32
    "tpu.region"() ({
      %run_scoped3A = tpu.sem_alloc : memref<!tpu.dma_semaphore, #tpu.memory_space<semaphore_mem>>
      %dma_start3A_161 = tpu.memref_slice %arg3[%mul3A_2] : memref<32768xi32, #tpu.memory_space<hbm>> -> memref<1024xi32, #tpu.memory_space<hbm>>
      %dma_start3A_162 = tpu.memref_slice %arg3[%mul3A_2] : memref<32768xi32, #tpu.memory_space<hbm>> -> memref<1024xi32, #tpu.memory_space<hbm>>
      tpu.enqueue_dma source(%dma_start3A_162 : memref<1024xi32, #tpu.memory_space<hbm>>) target(%arg5 : memref<1024xi32, #tpu.memory_space<vmem>>) target_semaphore(%run_scoped3A : memref<!tpu.dma_semaphore, #tpu.memory_space<semaphore_mem>>)
      %dma_wait3A_163 = tpu.memref_slice %arg3[%mul3A_2] : memref<32768xi32, #tpu.memory_space<hbm>> -> memref<1024xi32, #tpu.memory_space<hbm>>
      %dma_wait3A_164 = tpu.memref_slice %arg3[%mul3A_2] : memref<32768xi32, #tpu.memory_space<hbm>> -> memref<1024xi32, #tpu.memory_space<hbm>>
      tpu.wait_dma2 semaphore(%run_scoped3A : memref<!tpu.dma_semaphore, #tpu.memory_space<semaphore_mem>>) src(%dma_wait3A_164 : memref<1024xi32, #tpu.memory_space<hbm>>) dst(%arg5 : memref<1024xi32, #tpu.memory_space<vmem>>)
      tpu.yield
    }) : () -> ()
    %dma_start3A = arith.constant 0 : i32
    %dma_start3A_3 = tpu.memref_slice %arg5[%dma_start3A] : memref<1024xi32, #tpu.memory_space<vmem>> -> memref<128xi32, #tpu.memory_space<vmem>>
    %dma_start3A_4 = arith.constant 0 : i32
    %dma_start3A_5 = arith.constant 0 : i32
    %dma_start3A_6 = tpu.memref_slice %arg2[%dma_start3A_4, %dma_start3A_5] : memref<8192x768xf32, #tpu.memory_space<hbm>> -> memref<8192x768xf32, #tpu.memory_space<hbm>>
    tpu.enqueue_indirect_dma source(%dma_start3A_6 : memref<8192x768xf32, #tpu.memory_space<hbm>>) target(%arg6 : memref<128x768xf32, #tpu.memory_space<vmem>>) offsets(%dma_start3A_3 : memref<128xi32, #tpu.memory_space<vmem>>) semaphore(%arg7 : memref<!tpu.dma_semaphore, #tpu.memory_space<semaphore_mem>>)
    %dma_wait3A = arith.constant 0 : i32
    %dma_wait3A_7 = tpu.memref_slice %arg5[%dma_wait3A] : memref<1024xi32, #tpu.memory_space<vmem>> -> memref<128xi32, #tpu.memory_space<vmem>>
    %dma_wait3A_8 = arith.constant 0 : i32
    %dma_wait3A_9 = arith.constant 0 : i32
    %dma_wait3A_10 = tpu.memref_slice %arg2[%dma_wait3A_8, %dma_wait3A_9] : memref<8192x768xf32, #tpu.memory_space<hbm>> -> memref<8192x768xf32, #tpu.memory_space<hbm>>
    tpu.wait_indirect_dma semaphore(%arg7 : memref<!tpu.dma_semaphore, #tpu.memory_space<semaphore_mem>>) src(%dma_wait3A_10 : memref<8192x768xf32, #tpu.memory_space<hbm>>) dst(%arg6 : memref<128x768xf32, #tpu.memory_space<vmem>>)
    %add3A_11 = arith.constant 0 : i32
    %add3A_12 = arith.addi %mul3A_2, %add3A_11 : i32
    %dma_start3A_13 = arith.constant 0 : i32
    %dma_start3A_14 = tpu.memref_slice %arg4[%add3A_12, %dma_start3A_13] : memref<32768x768xf32, #tpu.memory_space<hbm>> -> memref<128x768xf32, #tpu.memory_space<hbm>>
    %dma_start3A_15 = arith.constant 0 : i32
    %dma_start3A_16 = tpu.memref_slice %arg4[%add3A_12, %dma_start3A_15] : memref<32768x768xf32, #tpu.memory_space<hbm>> -> memref<128x768xf32, #tpu.memory_space<hbm>>
    tpu.enqueue_dma source(%arg6 : memref<128x768xf32, #tpu.memory_space<vmem>>) target(%dma_start3A_16 : memref<128x768xf32, #tpu.memory_space<hbm>>) target_semaphore(%arg8 : memref<!tpu.dma_semaphore, #tpu.memory_space<semaphore_mem>>)
    %dma_wait3A_17 = arith.constant 0 : i32
    %dma_wait3A_18 = tpu.memref_slice %arg4[%add3A_12, %dma_wait3A_17] : memref<32768x768xf32, #tpu.memory_space<hbm>> -> memref<128x768xf32, #tpu.memory_space<hbm>>
    %dma_wait3A_19 = arith.constant 0 : i32
    %dma_wait3A_20 = tpu.memref_slice %arg4[%add3A_12, %dma_wait3A_19] : memref<32768x768xf32, #tpu.memory_space<hbm>> -> memref<128x768xf32, #tpu.memory_space<hbm>>
    tpu.wait_dma2 semaphore(%arg8 : memref<!tpu.dma_semaphore, #tpu.memory_space<semaphore_mem>>) src(%arg6 : memref<128x768xf32, #tpu.memory_space<vmem>>) dst(%dma_wait3A_20 : memref<128x768xf32, #tpu.memory_space<hbm>>)
    %dma_start3A_21 = arith.constant 128 : i32
    %dma_start3A_22 = tpu.memref_slice %arg5[%dma_start3A_21] : memref<1024xi32, #tpu.memory_space<vmem>> -> memref<128xi32, #tpu.memory_space<vmem>>
    %dma_start3A_23 = arith.constant 0 : i32
    %dma_start3A_24 = arith.constant 0 : i32
    %dma_start3A_25 = tpu.memref_slice %arg2[%dma_start3A_23, %dma_start3A_24] : memref<8192x768xf32, #tpu.memory_space<hbm>> -> memref<8192x768xf32, #tpu.memory_space<hbm>>
    tpu.enqueue_indirect_dma source(%dma_start3A_25 : memref<8192x768xf32, #tpu.memory_space<hbm>>) target(%arg6 : memref<128x768xf32, #tpu.memory_space<vmem>>) offsets(%dma_start3A_22 : memref<128xi32, #tpu.memory_space<vmem>>) semaphore(%arg7 : memref<!tpu.dma_semaphore, #tpu.memory_space<semaphore_mem>>)
    %dma_wait3A_26 = arith.constant 128 : i32
    %dma_wait3A_27 = tpu.memref_slice %arg5[%dma_wait3A_26] : memref<1024xi32, #tpu.memory_space<vmem>> -> memref<128xi32, #tpu.memory_space<vmem>>
    %dma_wait3A_28 = arith.constant 0 : i32
    %dma_wait3A_29 = arith.constant 0 : i32
    %dma_wait3A_30 = tpu.memref_slice %arg2[%dma_wait3A_28, %dma_wait3A_29] : memref<8192x768xf32, #tpu.memory_space<hbm>> -> memref<8192x768xf32, #tpu.memory_space<hbm>>
    tpu.wait_indirect_dma semaphore(%arg7 : memref<!tpu.dma_semaphore, #tpu.memory_space<semaphore_mem>>) src(%dma_wait3A_30 : memref<8192x768xf32, #tpu.memory_space<hbm>>) dst(%arg6 : memref<128x768xf32, #tpu.memory_space<vmem>>)
    %add3A_31 = arith.constant 128 : i32
    %add3A_32 = arith.addi %mul3A_2, %add3A_31 : i32
    %dma_start3A_33 = arith.constant 0 : i32
    %dma_start3A_34 = tpu.memref_slice %arg4[%add3A_32, %dma_start3A_33] : memref<32768x768xf32, #tpu.memory_space<hbm>> -> memref<128x768xf32, #tpu.memory_space<hbm>>
    %dma_start3A_35 = arith.constant 0 : i32
    %dma_start3A_36 = tpu.memref_slice %arg4[%add3A_32, %dma_start3A_35] : memref<32768x768xf32, #tpu.memory_space<hbm>> -> memref<128x768xf32, #tpu.memory_space<hbm>>
    tpu.enqueue_dma source(%arg6 : memref<128x768xf32, #tpu.memory_space<vmem>>) target(%dma_start3A_36 : memref<128x768xf32, #tpu.memory_space<hbm>>) target_semaphore(%arg8 : memref<!tpu.dma_semaphore, #tpu.memory_space<semaphore_mem>>)
    %dma_wait3A_37 = arith.constant 0 : i32
    %dma_wait3A_38 = tpu.memref_slice %arg4[%add3A_32, %dma_wait3A_37] : memref<32768x768xf32, #tpu.memory_space<hbm>> -> memref<128x768xf32, #tpu.memory_space<hbm>>
    %dma_wait3A_39 = arith.constant 0 : i32
    %dma_wait3A_40 = tpu.memref_slice %arg4[%add3A_32, %dma_wait3A_39] : memref<32768x768xf32, #tpu.memory_space<hbm>> -> memref<128x768xf32, #tpu.memory_space<hbm>>
    tpu.wait_dma2 semaphore(%arg8 : memref<!tpu.dma_semaphore, #tpu.memory_space<semaphore_mem>>) src(%arg6 : memref<128x768xf32, #tpu.memory_space<vmem>>) dst(%dma_wait3A_40 : memref<128x768xf32, #tpu.memory_space<hbm>>)
    %dma_start3A_41 = arith.constant 256 : i32
    %dma_start3A_42 = tpu.memref_slice %arg5[%dma_start3A_41] : memref<1024xi32, #tpu.memory_space<vmem>> -> memref<128xi32, #tpu.memory_space<vmem>>
    %dma_start3A_43 = arith.constant 0 : i32
    %dma_start3A_44 = arith.constant 0 : i32
    %dma_start3A_45 = tpu.memref_slice %arg2[%dma_start3A_43, %dma_start3A_44] : memref<8192x768xf32, #tpu.memory_space<hbm>> -> memref<8192x768xf32, #tpu.memory_space<hbm>>
    tpu.enqueue_indirect_dma source(%dma_start3A_45 : memref<8192x768xf32, #tpu.memory_space<hbm>>) target(%arg6 : memref<128x768xf32, #tpu.memory_space<vmem>>) offsets(%dma_start3A_42 : memref<128xi32, #tpu.memory_space<vmem>>) semaphore(%arg7 : memref<!tpu.dma_semaphore, #tpu.memory_space<semaphore_mem>>)
    %dma_wait3A_46 = arith.constant 256 : i32
    %dma_wait3A_47 = tpu.memref_slice %arg5[%dma_wait3A_46] : memref<1024xi32, #tpu.memory_space<vmem>> -> memref<128xi32, #tpu.memory_space<vmem>>
    %dma_wait3A_48 = arith.constant 0 : i32
    %dma_wait3A_49 = arith.constant 0 : i32
    %dma_wait3A_50 = tpu.memref_slice %arg2[%dma_wait3A_48, %dma_wait3A_49] : memref<8192x768xf32, #tpu.memory_space<hbm>> -> memref<8192x768xf32, #tpu.memory_space<hbm>>
    tpu.wait_indirect_dma semaphore(%arg7 : memref<!tpu.dma_semaphore, #tpu.memory_space<semaphore_mem>>) src(%dma_wait3A_50 : memref<8192x768xf32, #tpu.memory_space<hbm>>) dst(%arg6 : memref<128x768xf32, #tpu.memory_space<vmem>>)
    %add3A_51 = arith.constant 256 : i32
    %add3A_52 = arith.addi %mul3A_2, %add3A_51 : i32
    %dma_start3A_53 = arith.constant 0 : i32
    %dma_start3A_54 = tpu.memref_slice %arg4[%add3A_52, %dma_start3A_53] : memref<32768x768xf32, #tpu.memory_space<hbm>> -> memref<128x768xf32, #tpu.memory_space<hbm>>
    %dma_start3A_55 = arith.constant 0 : i32
    %dma_start3A_56 = tpu.memref_slice %arg4[%add3A_52, %dma_start3A_55] : memref<32768x768xf32, #tpu.memory_space<hbm>> -> memref<128x768xf32, #tpu.memory_space<hbm>>
    tpu.enqueue_dma source(%arg6 : memref<128x768xf32, #tpu.memory_space<vmem>>) target(%dma_start3A_56 : memref<128x768xf32, #tpu.memory_space<hbm>>) target_semaphore(%arg8 : memref<!tpu.dma_semaphore, #tpu.memory_space<semaphore_mem>>)
    %dma_wait3A_57 = arith.constant 0 : i32
    %dma_wait3A_58 = tpu.memref_slice %arg4[%add3A_52, %dma_wait3A_57] : memref<32768x768xf32, #tpu.memory_space<hbm>> -> memref<128x768xf32, #tpu.memory_space<hbm>>
    %dma_wait3A_59 = arith.constant 0 : i32
    %dma_wait3A_60 = tpu.memref_slice %arg4[%add3A_52, %dma_wait3A_59] : memref<32768x768xf32, #tpu.memory_space<hbm>> -> memref<128x768xf32, #tpu.memory_space<hbm>>
    tpu.wait_dma2 semaphore(%arg8 : memref<!tpu.dma_semaphore, #tpu.memory_space<semaphore_mem>>) src(%arg6 : memref<128x768xf32, #tpu.memory_space<vmem>>) dst(%dma_wait3A_60 : memref<128x768xf32, #tpu.memory_space<hbm>>)
    %dma_start3A_61 = arith.constant 384 : i32
    %dma_start3A_62 = tpu.memref_slice %arg5[%dma_start3A_61] : memref<1024xi32, #tpu.memory_space<vmem>> -> memref<128xi32, #tpu.memory_space<vmem>>
    %dma_start3A_63 = arith.constant 0 : i32
    %dma_start3A_64 = arith.constant 0 : i32
    %dma_start3A_65 = tpu.memref_slice %arg2[%dma_start3A_63, %dma_start3A_64] : memref<8192x768xf32, #tpu.memory_space<hbm>> -> memref<8192x768xf32, #tpu.memory_space<hbm>>
    tpu.enqueue_indirect_dma source(%dma_start3A_65 : memref<8192x768xf32, #tpu.memory_space<hbm>>) target(%arg6 : memref<128x768xf32, #tpu.memory_space<vmem>>) offsets(%dma_start3A_62 : memref<128xi32, #tpu.memory_space<vmem>>) semaphore(%arg7 : memref<!tpu.dma_semaphore, #tpu.memory_space<semaphore_mem>>)
    %dma_wait3A_66 = arith.constant 384 : i32
    %dma_wait3A_67 = tpu.memref_slice %arg5[%dma_wait3A_66] : memref<1024xi32, #tpu.memory_space<vmem>> -> memref<128xi32, #tpu.memory_space<vmem>>
    %dma_wait3A_68 = arith.constant 0 : i32
    %dma_wait3A_69 = arith.constant 0 : i32
    %dma_wait3A_70 = tpu.memref_slice %arg2[%dma_wait3A_68, %dma_wait3A_69] : memref<8192x768xf32, #tpu.memory_space<hbm>> -> memref<8192x768xf32, #tpu.memory_space<hbm>>
    tpu.wait_indirect_dma semaphore(%arg7 : memref<!tpu.dma_semaphore, #tpu.memory_space<semaphore_mem>>) src(%dma_wait3A_70 : memref<8192x768xf32, #tpu.memory_space<hbm>>) dst(%arg6 : memref<128x768xf32, #tpu.memory_space<vmem>>)
    %add3A_71 = arith.constant 384 : i32
    %add3A_72 = arith.addi %mul3A_2, %add3A_71 : i32
    %dma_start3A_73 = arith.constant 0 : i32
    %dma_start3A_74 = tpu.memref_slice %arg4[%add3A_72, %dma_start3A_73] : memref<32768x768xf32, #tpu.memory_space<hbm>> -> memref<128x768xf32, #tpu.memory_space<hbm>>
    %dma_start3A_75 = arith.constant 0 : i32
    %dma_start3A_76 = tpu.memref_slice %arg4[%add3A_72, %dma_start3A_75] : memref<32768x768xf32, #tpu.memory_space<hbm>> -> memref<128x768xf32, #tpu.memory_space<hbm>>
    tpu.enqueue_dma source(%arg6 : memref<128x768xf32, #tpu.memory_space<vmem>>) target(%dma_start3A_76 : memref<128x768xf32, #tpu.memory_space<hbm>>) target_semaphore(%arg8 : memref<!tpu.dma_semaphore, #tpu.memory_space<semaphore_mem>>)
    %dma_wait3A_77 = arith.constant 0 : i32
    %dma_wait3A_78 = tpu.memref_slice %arg4[%add3A_72, %dma_wait3A_77] : memref<32768x768xf32, #tpu.memory_space<hbm>> -> memref<128x768xf32, #tpu.memory_space<hbm>>
    %dma_wait3A_79 = arith.constant 0 : i32
    %dma_wait3A_80 = tpu.memref_slice %arg4[%add3A_72, %dma_wait3A_79] : memref<32768x768xf32, #tpu.memory_space<hbm>> -> memref<128x768xf32, #tpu.memory_space<hbm>>
    tpu.wait_dma2 semaphore(%arg8 : memref<!tpu.dma_semaphore, #tpu.memory_space<semaphore_mem>>) src(%arg6 : memref<128x768xf32, #tpu.memory_space<vmem>>) dst(%dma_wait3A_80 : memref<128x768xf32, #tpu.memory_space<hbm>>)
    %dma_start3A_81 = arith.constant 512 : i32
    %dma_start3A_82 = tpu.memref_slice %arg5[%dma_start3A_81] : memref<1024xi32, #tpu.memory_space<vmem>> -> memref<128xi32, #tpu.memory_space<vmem>>
    %dma_start3A_83 = arith.constant 0 : i32
    %dma_start3A_84 = arith.constant 0 : i32
    %dma_start3A_85 = tpu.memref_slice %arg2[%dma_start3A_83, %dma_start3A_84] : memref<8192x768xf32, #tpu.memory_space<hbm>> -> memref<8192x768xf32, #tpu.memory_space<hbm>>
    tpu.enqueue_indirect_dma source(%dma_start3A_85 : memref<8192x768xf32, #tpu.memory_space<hbm>>) target(%arg6 : memref<128x768xf32, #tpu.memory_space<vmem>>) offsets(%dma_start3A_82 : memref<128xi32, #tpu.memory_space<vmem>>) semaphore(%arg7 : memref<!tpu.dma_semaphore, #tpu.memory_space<semaphore_mem>>)
    %dma_wait3A_86 = arith.constant 512 : i32
    %dma_wait3A_87 = tpu.memref_slice %arg5[%dma_wait3A_86] : memref<1024xi32, #tpu.memory_space<vmem>> -> memref<128xi32, #tpu.memory_space<vmem>>
    %dma_wait3A_88 = arith.constant 0 : i32
    %dma_wait3A_89 = arith.constant 0 : i32
    %dma_wait3A_90 = tpu.memref_slice %arg2[%dma_wait3A_88, %dma_wait3A_89] : memref<8192x768xf32, #tpu.memory_space<hbm>> -> memref<8192x768xf32, #tpu.memory_space<hbm>>
    tpu.wait_indirect_dma semaphore(%arg7 : memref<!tpu.dma_semaphore, #tpu.memory_space<semaphore_mem>>) src(%dma_wait3A_90 : memref<8192x768xf32, #tpu.memory_space<hbm>>) dst(%arg6 : memref<128x768xf32, #tpu.memory_space<vmem>>)
    %add3A_91 = arith.constant 512 : i32
    %add3A_92 = arith.addi %mul3A_2, %add3A_91 : i32
    %dma_start3A_93 = arith.constant 0 : i32
    %dma_start3A_94 = tpu.memref_slice %arg4[%add3A_92, %dma_start3A_93] : memref<32768x768xf32, #tpu.memory_space<hbm>> -> memref<128x768xf32, #tpu.memory_space<hbm>>
    %dma_start3A_95 = arith.constant 0 : i32
    %dma_start3A_96 = tpu.memref_slice %arg4[%add3A_92, %dma_start3A_95] : memref<32768x768xf32, #tpu.memory_space<hbm>> -> memref<128x768xf32, #tpu.memory_space<hbm>>
    tpu.enqueue_dma source(%arg6 : memref<128x768xf32, #tpu.memory_space<vmem>>) target(%dma_start3A_96 : memref<128x768xf32, #tpu.memory_space<hbm>>) target_semaphore(%arg8 : memref<!tpu.dma_semaphore, #tpu.memory_space<semaphore_mem>>)
    %dma_wait3A_97 = arith.constant 0 : i32
    %dma_wait3A_98 = tpu.memref_slice %arg4[%add3A_92, %dma_wait3A_97] : memref<32768x768xf32, #tpu.memory_space<hbm>> -> memref<128x768xf32, #tpu.memory_space<hbm>>
    %dma_wait3A_99 = arith.constant 0 : i32
    %dma_wait3A_100 = tpu.memref_slice %arg4[%add3A_92, %dma_wait3A_99] : memref<32768x768xf32, #tpu.memory_space<hbm>> -> memref<128x768xf32, #tpu.memory_space<hbm>>
    tpu.wait_dma2 semaphore(%arg8 : memref<!tpu.dma_semaphore, #tpu.memory_space<semaphore_mem>>) src(%arg6 : memref<128x768xf32, #tpu.memory_space<vmem>>) dst(%dma_wait3A_100 : memref<128x768xf32, #tpu.memory_space<hbm>>)
    %dma_start3A_101 = arith.constant 640 : i32
    %dma_start3A_102 = tpu.memref_slice %arg5[%dma_start3A_101] : memref<1024xi32, #tpu.memory_space<vmem>> -> memref<128xi32, #tpu.memory_space<vmem>>
    %dma_start3A_103 = arith.constant 0 : i32
    %dma_start3A_104 = arith.constant 0 : i32
    %dma_start3A_105 = tpu.memref_slice %arg2[%dma_start3A_103, %dma_start3A_104] : memref<8192x768xf32, #tpu.memory_space<hbm>> -> memref<8192x768xf32, #tpu.memory_space<hbm>>
    tpu.enqueue_indirect_dma source(%dma_start3A_105 : memref<8192x768xf32, #tpu.memory_space<hbm>>) target(%arg6 : memref<128x768xf32, #tpu.memory_space<vmem>>) offsets(%dma_start3A_102 : memref<128xi32, #tpu.memory_space<vmem>>) semaphore(%arg7 : memref<!tpu.dma_semaphore, #tpu.memory_space<semaphore_mem>>)
    %dma_wait3A_106 = arith.constant 640 : i32
    %dma_wait3A_107 = tpu.memref_slice %arg5[%dma_wait3A_106] : memref<1024xi32, #tpu.memory_space<vmem>> -> memref<128xi32, #tpu.memory_space<vmem>>
    %dma_wait3A_108 = arith.constant 0 : i32
    %dma_wait3A_109 = arith.constant 0 : i32
    %dma_wait3A_110 = tpu.memref_slice %arg2[%dma_wait3A_108, %dma_wait3A_109] : memref<8192x768xf32, #tpu.memory_space<hbm>> -> memref<8192x768xf32, #tpu.memory_space<hbm>>
    tpu.wait_indirect_dma semaphore(%arg7 : memref<!tpu.dma_semaphore, #tpu.memory_space<semaphore_mem>>) src(%dma_wait3A_110 : memref<8192x768xf32, #tpu.memory_space<hbm>>) dst(%arg6 : memref<128x768xf32, #tpu.memory_space<vmem>>)
    %add3A_111 = arith.constant 640 : i32
    %add3A_112 = arith.addi %mul3A_2, %add3A_111 : i32
    %dma_start3A_113 = arith.constant 0 : i32
    %dma_start3A_114 = tpu.memref_slice %arg4[%add3A_112, %dma_start3A_113] : memref<32768x768xf32, #tpu.memory_space<hbm>> -> memref<128x768xf32, #tpu.memory_space<hbm>>
    %dma_start3A_115 = arith.constant 0 : i32
    %dma_start3A_116 = tpu.memref_slice %arg4[%add3A_112, %dma_start3A_115] : memref<32768x768xf32, #tpu.memory_space<hbm>> -> memref<128x768xf32, #tpu.memory_space<hbm>>
    tpu.enqueue_dma source(%arg6 : memref<128x768xf32, #tpu.memory_space<vmem>>) target(%dma_start3A_116 : memref<128x768xf32, #tpu.memory_space<hbm>>) target_semaphore(%arg8 : memref<!tpu.dma_semaphore, #tpu.memory_space<semaphore_mem>>)
    %dma_wait3A_117 = arith.constant 0 : i32
    %dma_wait3A_118 = tpu.memref_slice %arg4[%add3A_112, %dma_wait3A_117] : memref<32768x768xf32, #tpu.memory_space<hbm>> -> memref<128x768xf32, #tpu.memory_space<hbm>>
    %dma_wait3A_119 = arith.constant 0 : i32
    %dma_wait3A_120 = tpu.memref_slice %arg4[%add3A_112, %dma_wait3A_119] : memref<32768x768xf32, #tpu.memory_space<hbm>> -> memref<128x768xf32, #tpu.memory_space<hbm>>
    tpu.wait_dma2 semaphore(%arg8 : memref<!tpu.dma_semaphore, #tpu.memory_space<semaphore_mem>>) src(%arg6 : memref<128x768xf32, #tpu.memory_space<vmem>>) dst(%dma_wait3A_120 : memref<128x768xf32, #tpu.memory_space<hbm>>)
    %dma_start3A_121 = arith.constant 768 : i32
    %dma_start3A_122 = tpu.memref_slice %arg5[%dma_start3A_121] : memref<1024xi32, #tpu.memory_space<vmem>> -> memref<128xi32, #tpu.memory_space<vmem>>
    %dma_start3A_123 = arith.constant 0 : i32
    %dma_start3A_124 = arith.constant 0 : i32
    %dma_start3A_125 = tpu.memref_slice %arg2[%dma_start3A_123, %dma_start3A_124] : memref<8192x768xf32, #tpu.memory_space<hbm>> -> memref<8192x768xf32, #tpu.memory_space<hbm>>
    tpu.enqueue_indirect_dma source(%dma_start3A_125 : memref<8192x768xf32, #tpu.memory_space<hbm>>) target(%arg6 : memref<128x768xf32, #tpu.memory_space<vmem>>) offsets(%dma_start3A_122 : memref<128xi32, #tpu.memory_space<vmem>>) semaphore(%arg7 : memref<!tpu.dma_semaphore, #tpu.memory_space<semaphore_mem>>)
    %dma_wait3A_126 = arith.constant 768 : i32
    %dma_wait3A_127 = tpu.memref_slice %arg5[%dma_wait3A_126] : memref<1024xi32, #tpu.memory_space<vmem>> -> memref<128xi32, #tpu.memory_space<vmem>>
    %dma_wait3A_128 = arith.constant 0 : i32
    %dma_wait3A_129 = arith.constant 0 : i32
    %dma_wait3A_130 = tpu.memref_slice %arg2[%dma_wait3A_128, %dma_wait3A_129] : memref<8192x768xf32, #tpu.memory_space<hbm>> -> memref<8192x768xf32, #tpu.memory_space<hbm>>
    tpu.wait_indirect_dma semaphore(%arg7 : memref<!tpu.dma_semaphore, #tpu.memory_space<semaphore_mem>>) src(%dma_wait3A_130 : memref<8192x768xf32, #tpu.memory_space<hbm>>) dst(%arg6 : memref<128x768xf32, #tpu.memory_space<vmem>>)
    %add3A_131 = arith.constant 768 : i32
    %add3A_132 = arith.addi %mul3A_2, %add3A_131 : i32
    %dma_start3A_133 = arith.constant 0 : i32
    %dma_start3A_134 = tpu.memref_slice %arg4[%add3A_132, %dma_start3A_133] : memref<32768x768xf32, #tpu.memory_space<hbm>> -> memref<128x768xf32, #tpu.memory_space<hbm>>
    %dma_start3A_135 = arith.constant 0 : i32
    %dma_start3A_136 = tpu.memref_slice %arg4[%add3A_132, %dma_start3A_135] : memref<32768x768xf32, #tpu.memory_space<hbm>> -> memref<128x768xf32, #tpu.memory_space<hbm>>
    tpu.enqueue_dma source(%arg6 : memref<128x768xf32, #tpu.memory_space<vmem>>) target(%dma_start3A_136 : memref<128x768xf32, #tpu.memory_space<hbm>>) target_semaphore(%arg8 : memref<!tpu.dma_semaphore, #tpu.memory_space<semaphore_mem>>)
    %dma_wait3A_137 = arith.constant 0 : i32
    %dma_wait3A_138 = tpu.memref_slice %arg4[%add3A_132, %dma_wait3A_137] : memref<32768x768xf32, #tpu.memory_space<hbm>> -> memref<128x768xf32, #tpu.memory_space<hbm>>
    %dma_wait3A_139 = arith.constant 0 : i32
    %dma_wait3A_140 = tpu.memref_slice %arg4[%add3A_132, %dma_wait3A_139] : memref<32768x768xf32, #tpu.memory_space<hbm>> -> memref<128x768xf32, #tpu.memory_space<hbm>>
    tpu.wait_dma2 semaphore(%arg8 : memref<!tpu.dma_semaphore, #tpu.memory_space<semaphore_mem>>) src(%arg6 : memref<128x768xf32, #tpu.memory_space<vmem>>) dst(%dma_wait3A_140 : memref<128x768xf32, #tpu.memory_space<hbm>>)
    %dma_start3A_141 = arith.constant 896 : i32
    %dma_start3A_142 = tpu.memref_slice %arg5[%dma_start3A_141] : memref<1024xi32, #tpu.memory_space<vmem>> -> memref<128xi32, #tpu.memory_space<vmem>>
    %dma_start3A_143 = arith.constant 0 : i32
    %dma_start3A_144 = arith.constant 0 : i32
    %dma_start3A_145 = tpu.memref_slice %arg2[%dma_start3A_143, %dma_start3A_144] : memref<8192x768xf32, #tpu.memory_space<hbm>> -> memref<8192x768xf32, #tpu.memory_space<hbm>>
    tpu.enqueue_indirect_dma source(%dma_start3A_145 : memref<8192x768xf32, #tpu.memory_space<hbm>>) target(%arg6 : memref<128x768xf32, #tpu.memory_space<vmem>>) offsets(%dma_start3A_142 : memref<128xi32, #tpu.memory_space<vmem>>) semaphore(%arg7 : memref<!tpu.dma_semaphore, #tpu.memory_space<semaphore_mem>>)
    %dma_wait3A_146 = arith.constant 896 : i32
    %dma_wait3A_147 = tpu.memref_slice %arg5[%dma_wait3A_146] : memref<1024xi32, #tpu.memory_space<vmem>> -> memref<128xi32, #tpu.memory_space<vmem>>
    %dma_wait3A_148 = arith.constant 0 : i32
    %dma_wait3A_149 = arith.constant 0 : i32
    %dma_wait3A_150 = tpu.memref_slice %arg2[%dma_wait3A_148, %dma_wait3A_149] : memref<8192x768xf32, #tpu.memory_space<hbm>> -> memref<8192x768xf32, #tpu.memory_space<hbm>>
    tpu.wait_indirect_dma semaphore(%arg7 : memref<!tpu.dma_semaphore, #tpu.memory_space<semaphore_mem>>) src(%dma_wait3A_150 : memref<8192x768xf32, #tpu.memory_space<hbm>>) dst(%arg6 : memref<128x768xf32, #tpu.memory_space<vmem>>)
    %add3A_151 = arith.constant 896 : i32
    %add3A_152 = arith.addi %mul3A_2, %add3A_151 : i32
    %dma_start3A_153 = arith.constant 0 : i32
    %dma_start3A_154 = tpu.memref_slice %arg4[%add3A_152, %dma_start3A_153] : memref<32768x768xf32, #tpu.memory_space<hbm>> -> memref<128x768xf32, #tpu.memory_space<hbm>>
    %dma_start3A_155 = arith.constant 0 : i32
    %dma_start3A_156 = tpu.memref_slice %arg4[%add3A_152, %dma_start3A_155] : memref<32768x768xf32, #tpu.memory_space<hbm>> -> memref<128x768xf32, #tpu.memory_space<hbm>>
    tpu.enqueue_dma source(%arg6 : memref<128x768xf32, #tpu.memory_space<vmem>>) target(%dma_start3A_156 : memref<128x768xf32, #tpu.memory_space<hbm>>) target_semaphore(%arg8 : memref<!tpu.dma_semaphore, #tpu.memory_space<semaphore_mem>>)
    %dma_wait3A_157 = arith.constant 0 : i32
    %dma_wait3A_158 = tpu.memref_slice %arg4[%add3A_152, %dma_wait3A_157] : memref<32768x768xf32, #tpu.memory_space<hbm>> -> memref<128x768xf32, #tpu.memory_space<hbm>>
    %dma_wait3A_159 = arith.constant 0 : i32
    %dma_wait3A_160 = tpu.memref_slice %arg4[%add3A_152, %dma_wait3A_159] : memref<32768x768xf32, #tpu.memory_space<hbm>> -> memref<128x768xf32, #tpu.memory_space<hbm>>
    tpu.wait_dma2 semaphore(%arg8 : memref<!tpu.dma_semaphore, #tpu.memory_space<semaphore_mem>>) src(%arg6 : memref<128x768xf32, #tpu.memory_space<vmem>>) dst(%dma_wait3A_160 : memref<128x768xf32, #tpu.memory_space<hbm>>)
    return
  }
}

</mosaic_0001>

<sc_bundles>
// kernel: kernel.3.cloned.1.call-start
scs
__scs_entry_jumppad:
0x0: {  	(pc) =	sbr.rel $0x88, $3  }
0x1: {  	(tag) =	ssettag $0x0;
	lr =	simm.s32 $0x1  }
0x2: {  	[smem:$0x3F9F] =	sst lr;
	_ =	strace $0xD0000000  }
0x3: {  	_ = 	snop  }
0x4: {  	_ = 	snop  }
0x5: {  	_ = 	snop  }
0x6: {  	_ = 	snop  }
0x7: {  	_ = 	snop  }
__scs_overlays_trampoline_lowered:
0x8: {  	[smem:$0x3FAE] =	sst s0  }
0x9: {  	[smem:$0x3FAF] =	sst s1  }
0xa: {  	[smem:$0x3FB0] =	sst s2  }
0xb: {  	[smem:$0x3FB1] =	sst s3  }
0xc: {  	[smem:$0x3FB2] =	sst s4  }
0xd: {  	[smem:$0x3FB3] =	sst s5  }
0xe: {  	[smem:$0x3FB4] =	sst s6  }
0xf: {  	[smem:$0x3FB5] =	sst s7  }
0x10: {  	[smem:$0x3FB6] =	sst s8  }
0x11: {  	[smem:$0x3FB7] =	sst s9;
	s0 =	simm.s32 @!p0 $0x0  }
0x12: {  	s1 =	sld [smem:$0x3F9D];
	s0 =	simm.s32 @p0 $0x1  }
0x13: {  	[smem:$0x3FB8] =	sst s0;
	s0 =	simm.s32 @!p1 $0x0  }
0x14: {  	s2 =	sld [smem:$0x3F9C];
	s0 =	simm.s32 @p1 $0x1  }
0x15: {  	[smem:$0x3FB9] =	sst s0;
	s0 =	simm.s32 @!p2 $0x0  }
0x16: {  	s3 =	sld [smem:$0x3FDB];
	s0 =	simm.s32 @p2 $0x1  }
0x17: {  	s4 =	simm.s32 $0x1BF5;
	[smem:$0x3FBB] =	sst s0  }
0x18: {  	s0 =	sld [smem:$0x3F9E];
	_ =	swait.ge [sflag:s4], $0x0  }
0x19: {  	s7 =	sld [smem:$0x3F9F]  }
0x1a: {  	s8 =	sadd.s32 $0xFFFFE003, lr  }
0x1b: {  	s9 =	sadd.s32 $0xFFFFFEF7, lr;
	s5 =	simm.s32 $0xFFFFFFFF;
	p2 =	slt.u32 s8, $0xFFFFF086  }
0x1c: {  	p1 =	slt.u32 s9, $0xF7A;
	s5 =	simm.s32 @!p2 $0x0  }
0x1d: {  	s5 =	simm.s32 @p1 $0x1;
	p0 =	seq.s32 s7, s2  }
0x1e: {  	s7 =	smul.u32 @!p0 $0xF7A, s2;
	p2 =	seq.s32 @!p0 s5, $0x0  }
0x1f: {  	s9 =	smul.u32 $0xF7A, s1;
	s8 =	simm.s32 @!p0 $0x1BF5;
	p2 =	por !p2, p0  }
0x20: {  	[sflag:s8] =	ssyncset.s32 @!p0 $0xFFFFF086;
	s6 =	sadd.s32 @!p0 s3, s7;
	s7 =	simm.s32 @!p0 $0x108  }
0x21: {  	s3 =	sadd.s32 s3, s9;
	s6 =	sadd.s32 @!p0 $0x88, s6;
	s7 =	simm.s32 @p2 $0x1082  }
0x22: {  	[simem:s7], [sflag:s8] =	dma.local @!p0 [hbm:s6], $0xF7A  }
0x23: {  	s9 =	sor.u32 $0xD0000000, s2;
	s6 =	simm.s32 $0x108;
	_ =	swait.ge @!p0 [sflag:s8], $0x0  }
0x24: {  	s3 =	sadd.s32 $0x88, s3;
	s6 =	simm.s32 @!p1 $0x1082;
	[sflag:s4] =	ssyncset.s32 $0xFFFFF086  }
0x25: {  	[simem:s6], [sflag:s4] =	dma.local [hbm:s3], $0xF7A  }
0x26: {  	[smem:$0x3F9F] =	sst s1;
	(tag) =	ssettag s2;
	_ =	strace s9  }
0x27: {  	s1 =	sld [smem:$0x3FAF]  }
0x28: {  	s2 =	sld [smem:$0x3FB0]  }
0x29: {  	s4 =	sld [smem:$0x3FB2]  }
0x2a: {  	p0 =	seq.s32 s5, $0x0;
	s5 =	sld [smem:$0x3FB3]  }
0x2b: {  	s6 =	sld [smem:$0x3FB4]  }
0x2c: {  	s7 =	sld [smem:$0x3FB5]  }
0x2d: {  	s3 =	simm.s32 $0x108;
	s8 =	sld [smem:$0x3FB6]  }
0x2e: {  	s3 =	simm.s32 @!p0 $0x1082;
	s9 =	sld [smem:$0x3FB7]  }
0x2f: {  	lr =	sadd.s32 s0, s3;
	s0 =	sld [smem:$0x3FAE]  }
0x30: {  	s3 =	sld [smem:$0x3FB1]  }
0x31: {  	[smem:$0x3FBA] =	sst s10  }
0x32: {  	s10 =	sld [smem:$0x3FB8];
	_ =	sdelay $0x3  }
0x33: {  	p0 =	seq.s32 s10, $0x1;
	s10 =	sld [smem:$0x3FBA];
	_ =	sdelay $0x3  }
0x34: {  	[smem:$0x3FBA] =	sst s10  }
0x35: {  	s10 =	sld [smem:$0x3FB9];
	_ =	sdelay $0x3  }
0x36: {  	p1 =	seq.s32 s10, $0x1;
	s10 =	sld [smem:$0x3FBA];
	_ =	sdelay $0x3  }
0x37: {  	[smem:$0x3FBA] =	sst s10  }
0x38: {  	s10 =	sld [smem:$0x3FBB]  }
0x39: {  	_ = 	snop;
	(pc) =	sbr.ind lr, $3  }
0x3a: {  	_ = 	snop  }
0x3b: {  	_ = 	snop  }
0x3c: {  	p2 =	seq.s32 s10, $0x1;
	s10 =	sld [smem:$0x3FBA]  }
0x3d: {  	_ =	shalt  }
0x3e: {  	_ =	shalt  }
0x3f: {  	_ =	shalt  }
0x40: {  	_ =	shalt  }
0x41: {  	_ =	shalt  }
0x42: {  	_ =	shalt  }
0x43: {  	_ =	shalt  }
0x44: {  	_ =	shalt  }
0x45: {  	_ =	shalt  }
0x46: {  	_ =	shalt  }
0x47: {  	_ =	shalt  }
0x48: {  	_ =	shalt  }
0x49: {  	_ =	shalt  }
0x4a: {  	_ =	shalt  }
0x4b: {  	_ =	shalt  }
0x4c: {  	_ =	shalt  }
0x4d: {  	_ =	shalt  }
0x4e: {  	_ =	shalt  }
0x4f: {  	_ =	shalt  }
0x50: {  	_ =	shalt  }
0x51: {  	_ =	shalt  }
0x52: {  	_ =	shalt  }
0x53: {  	_ =	shalt  }
0x54: {  	_ =	shalt  }
0x55: {  	_ =	shalt  }
0x56: {  	_ =	shalt  }
0x57: {  	_ =	shalt  }
0x58: {  	_ =	shalt  }
0x59: {  	_ =	shalt  }
0x5a: {  	_ =	shalt  }
0x5b: {  	_ =	shalt  }
0x5c: {  	_ =	shalt  }
0x5d: {  	_ =	shalt  }
0x5e: {  	_ =	shalt  }
0x5f: {  	_ =	shalt  }
0x60: {  	_ =	shalt  }
0x61: {  	_ =	shalt  }
0x62: {  	_ =	shalt  }
0x63: {  	_ =	shalt  }
0x64: {  	_ =	shalt  }
0x65: {  	_ =	shalt  }
0x66: {  	_ =	shalt  }
0x67: {  	_ =	shalt  }
0x68: {  	_ =	shalt  }
0x69: {  	_ =	shalt  }
0x6a: {  	_ =	shalt  }
0x6b: {  	_ =	shalt  }
0x6c: {  	_ =	shalt  }
0x6d: {  	_ =	shalt  }
0x6e: {  	_ =	shalt  }
0x6f: {  	_ =	shalt  }
0x70: {  	_ =	shalt  }
0x71: {  	_ =	shalt  }
0x72: {  	_ =	shalt  }
0x73: {  	_ =	shalt  }
0x74: {  	_ =	shalt  }
0x75: {  	_ =	shalt  }
0x76: {  	_ =	shalt  }
0x77: {  	_ =	shalt  }
0x78: {  	_ =	shalt  }
0x79: {  	_ =	shalt  }
0x7a: {  	_ =	shalt  }
0x7b: {  	_ =	shalt  }
0x7c: {  	_ =	shalt  }
0x7d: {  	_ =	shalt  }
0x7e: {  	_ =	shalt  }
0x7f: {  	_ =	shalt  }
0x80: {  	_ =	shalt  }
0x81: {  	_ =	shalt  }
0x82: {  	_ =	shalt  }
0x83: {  	_ =	shalt  }
0x84: {  	_ =	shalt  }
0x85: {  	_ =	shalt  }
0x86: {  	_ =	shalt  }
0x87: {  	_ =	shalt  }
.Lfunc_end0:
.L_simem_size_0:
called_computation_lowered:
.L_overlay_start_0:
0x88: {  	s2 =	sld [smem:$0x3FD9]  }
0x89: {  	s3 =	sld [smem:$0x3FFE];
	_ =	sdelay $0x1  }
0x8a: {  	s1 =	srdreg.scid  }
0x8b: {  	s0 =	sand.u32 $0x1, s1  }
0x8c: {  	s17 =	sshll.u32 s0, $0xA;
	s2 =	sadd.s32 s3, s2  }
0x8d: {  	s2 =	sadd.s32 s2, s17  }
0x8e: {  	[smem:$0x3FC6] =	sst s2  }
0x8f: {  	_ = 	snop  }
0x90: {  	s2 =	sld [smem:$0x3FC8]  }
0x91: {  	s18 =	sld [smem:$0x3FD0];
	(tm) =	ssettm $0x1  }
0x92: {  	s4 =	sld [smem:$0x3FFB];
	_ =	sdelay $0x3  }
0x93: {  	_ =	strace s4  }
0x94: {  	s4 =	sld [smem:$0x3FFC];
	_ =	sdelay $0x3  }
0x95: {  	_ =	strace s4  }
0x96: {  	s4 =	sld [smem:$0x3FFD];
	_ =	sdelay $0x3  }
0x97: {  	_ =	strace s4  }
0x98: {  	_ =	strace $0x8FFFFFFF  }
0x99: {  	s19 =	sld [smem:$0x3FDB];
	_ =	sdelay $0x1  }
0x9a: {  	s5 =	simm.s32 $_scs_section_size  }
0x9b: {  	s6 =	simm.s32 $_size__tile_overlayer_lowered;
	s7 =	simm.s32 $_tile_overlayer_lowered  }
0x9c: {  	s22 =	simm.s32 $0x1BFF;
	s21 =	sshll.u32 s7, $0x1;
	s4 =	sadd.s32 s5, s19  }
0x9d: {  	s8 =	simm.s32 $0x0;
	s20 =	sshll.u32 s6, $0x1;
	s6 =	sadd.s32 s21, s4  }
0x9e: {  	[timem:s8], [sflag:s22] =	dma.local [hbm:s6], s20  }
0x9f: {  	_ =	swait.ge [sflag:s22], s20  }
0xa0: {  	s5 =	ssub.s32 $0x0, s20;
	[sflag:s22] =	ssyncset.done $0x0  }
0xa1: {  	[sflag:s22] =	ssyncadd.s32 s5;
	_ =	sdelay $0x1  }
0xa2: {  	s23 =	simm.s32 $0x1B8B  }
0xa3: {  	_ =	swait.ge [sflag:s23], $0x1  }
0xa4: {  	[sflag:s23] =	ssyncset.done $0x0  }
0xa5: {  	s25 =	simm.s32 $0x1B8E;
	s24 =	sld [smem:$0x3FFE];
	[sflag:s23] =	ssyncadd.s32 $0xFFFFFFFF  }
0xa6: {  	s26 =	simm.s32 $execute0_lowered;
	[smem:$0x3FD2] =	sst s25  }
0xa7: {  	s6 =	sshll.u32 s26, $0x1;
	_ =	strace $0x80000046;
	[dreg:$0x1] =	wrdreg $0xFFFFFFFF  }
0xa8: {  	s28 =	simm.s32 $_size_execute0_lowered;
	s4 =	sadd.s32 s4, s6;
	[dreg:$0x0] =	wrdreg $0x0  }
0xa9: {  	s6 =	sshll.u32 s28, $0x1;
	[dreg:$0x2] =	wrdreg s4  }
0xaa: {  	[dreg:$0x3] =	wrdreg s6  }
0xab: {  	[dreg:$0x4] =	wrdreg $0xC0  }
0xac: {  	_ =	task [dreg:s8], $0x5FFFF  }
0xad: {  	[dreg:$0x1] =	wrdreg $0xFFFFFFFF  }
0xae: {  	[dreg:$0x0] =	wrdreg $0x60  }
0xaf: {  	[dreg:$0x2] =	wrdreg s2  }
0xb0: {  	[dreg:$0x3] =	wrdreg s24  }
0xb1: {  	[dreg:$0x4] =	wrdreg s18  }
0xb2: {  	[dreg:$0x5] =	wrdreg $0x9  }
0xb3: {  	_ =	task.clear_ibuf [dreg:s8], $0x6FFFF;
	_ =	strace $0x90000046  }
0xb4: {  	s29 =	simm.s32 $0x9;
	_ =	strace $0x80000048  }
0xb5: {  	_ =	swait.ge [sflag:s29], $0x1  }
0xb6: {  	[sflag:s29] =	ssyncadd.s32 $0xFFFFFFFF  }
0xb7: {  	_ =	strace $0x90000048  }
0xb8: {  	_ =	sfence  }
0xb9: {  	s30 =	sld [smem:$0x0];
	_ =	sdelay $0x2  }
0xba: {  	s31 =	sshll.u32 s1, $0xD;
	s1 =	sshrl.u32 s1, $0x2  }
0xbb: {  	s3 =	sand.u32 $0x4000, s31;
	s1 =	sadd.s32 s1, s30  }
0xbc: {  	s0 =	sor.u32 s3, s0;
	s1 =	sshll.u32 s1, $0x11  }
0xbd: {  	s0 =	sor.u32 s1, s0  }
0xbe: {  	s0 =	sadd.s32 $0x8F2B, s0  }
0xbf: {  	[sflag:s0] =	ssyncadd.remote.s32 $0x1  }
0xc0: {  	_ =	sfence.sel $0xFFFF  }
0xc1: {  	[dreg:$0x0] =	wrdreg $0xFFFFFFFF;
	(pc) =	sbr.abs _section_cstart, $3  }
0xc2: {  	[dreg:$0x1] =	wrdreg $0xFFFFFFFF  }
0xc3: {  	_ =	task.clear_ibuf [dreg:s8], $0x2FFFF;
	_ =	strace $0x9FFFFFFF  }
0xc4: {  	(tm) =	ssettm $0x7FFFFFFF  }
0xc5: {  	_ =	shalt  }
tec
execute0_lowered:
.L_overlay_start_1:
0x0: {  	(tag) =	ssettag $0x1  }
0x1: {  	s0 =	srdreg.scid;
	s1 =	rddreg [dreg:$0x0]  }
0x2: {  	s3 =	stileid.u32;
	s2 =	rddreg [dreg:$0x1];
	s0 =	sand.u32 $0x1, s0  }
0x3: {  	s5 =	rddreg [dreg:$0x2];
	s3 =	sshll.u32 s3, $0x8;
	s4 =	sshll.u32 s0, $0x7  }
0x4: {  	s16 =	simm.s32 $0x400;
	s0 =	ssub.s32 $0x2, s0;
	s4 =	sor.u32 s4, s3  }
0x5: {  	s3 =	simm.s32 $0x0;
	s6 =	smul.u32 $0x300, s4;
	s2 =	sadd.s32 s4, s2  }
0x6: {  	[smem:$0x7FF] =	sst s3;
	s4 =	smul.u32 $0x1800, s4;
	s2 =	sadd.s32 $0x400, s2  }
0x7: {  	_ =	strace $0x80000047;
	s6 =	sadd.s32 s5, s6;
	[dreg:$0x4] =	wrdreg s2  }
0x8: {  	s4 =	sshrl.u32 s4, $0x3;
	s23 =	sadd.s32 $0x3000, s6;
	[dreg:$0xc] =	wrdreg s6  }
0x9: {  	s24 =	sadd.s32 $0x6000, s6;
	s4 =	sadd.s32 s5, s4;
	[dreg:$0x5] =	wrdreg s23  }
0xa: {  	s28 =	sshrl.u32 s0, $0x1;
	[dreg:$0x6] =	wrdreg s24;
	s25 =	sadd.s32 $0x9000, s4  }
0xb: {  	s0 =	ssub.s32 s0, s28;
	s26 =	sadd.s32 $0xC000, s4;
	[dreg:$0x7] =	wrdreg s25  }
0xc: {  	s2 =	smax.u32 s0, $0x1;
	s29 =	sadd.s32 $0xF000, s4;
	[dreg:$0x8] =	wrdreg s26  }
0xd: {  	v2 =	vlaneseq.u32;
	s0 =	simm.s32 $0x1;
	s30 =	sadd.s32 $0x12000, s4;
	[dreg:$0x9] =	wrdreg s29  }
0xe: {  	vm0 =	vmmov $0xffff;
	v1 =	vshrl.u32 v2, $0x3;
	s5 =	sadd.s32 $0x100, s1;
	s31 =	sadd.s32 $0x15000, s4;
	[dreg:$0xa] =	wrdreg s30  }
0xf: {  	v0 =	vand.u32 $0x7, v2;
	v2 =	vor.u32 $0x8, v2;
	v1 =	vmul.u32 $0x8, v1;
	s6 =	sadd.s32 $0x200, s1;
	s4 =	simm.s32 $0x2;
	[dreg:$0xb] =	wrdreg s31  }
.LBB2_1:
0x10: {  	[dreg:$0xd] =	wrdreg s2  }
0x11: {  	s8 =	rddreg [dreg:$0x4];
	s12 =	simm.s32 $0x3  }
0x12: {  	[tilespmem:s3], [sflag:$0x3] =	stream.linear.gather [hbm4b:s8+s3], $0x400, $0x38;
	[tilespmem:$0x18400] =	vst v63  }
0x13: {  	_ =	swait.ge [sflag:s12], $0x400  }
0x14: {  	[sflag:s12] =	ssyncset.done $0x0  }
0x15: {  	[sflag:s12] =	ssyncadd.s32 $0xFFFFFC00  }
0x16: {  	v3 =	vld [tilespmem:$0x0];
	_ =	sdelay $0x4  }
0x17: {  	v4 =	vshrl.u32 v3, $0x3  }
0x18: {  	v4 =	vmul.u32 $0x30, v4  }
0x19: {  	v3 =	vand.u32 $0x7, v3  }
0x1a: {  	v3 =	vor.u32 v3, v4  }
0x1b: {  	v4 =	vperm.xlane v3, v0;
	_ =	sdelay $0x1  }
0x1c: {  	v4 =	vadd.s32 v1, v4;
	_ =	sdelay $0x3  }
0x1d: {  	v3 =	vperm.xlane v3, v2  }
0x1e: {  	[tilespmem:s16], [sflag:$0x1] =	stream.indirect_vreg.gather [hbm4b:s1+s3], $0x80, v4, vm0, $0xb8;
	[tilespmem:$0x18400] =	vst v63  }
0x1f: {  	s13 =	simm.s32 $0xC00;
	v3 =	vadd.s32 v1, v3  }
0x20: {  	[tilespmem:s13], [sflag:$0x1] =	stream.indirect_vreg.gather [hbm4b:s5+s3], $0x80, v4, vm0, $0xb8;
	[tilespmem:$0x18400] =	vst v63  }
0x21: {  	s14 =	simm.s32 $0x1400  }
0x22: {  	[tilespmem:s14], [sflag:$0x1] =	stream.indirect_vreg.gather [hbm4b:s6+s3], $0x80, v4, vm0, $0xb8;
	[tilespmem:$0x18400] =	vst v63  }
0x23: {  	s15 =	simm.s32 $0x1C00  }
0x24: {  	[tilespmem:s15], [sflag:$0x1] =	stream.indirect_vreg.gather [hbm4b:s1+s3], $0x80, v3, vm0, $0xb8;
	[tilespmem:$0x18400] =	vst v63  }
0x25: {  	s17 =	simm.s32 $0x2400  }
0x26: {  	[tilespmem:s17], [sflag:$0x1] =	stream.indirect_vreg.gather [hbm4b:s5+s3], $0x80, v3, vm0, $0xb8;
	[tilespmem:$0x18400] =	vst v63  }
0x27: {  	s18 =	simm.s32 $0x2C00  }
0x28: {  	[tilespmem:s18], [sflag:$0x1] =	stream.indirect_vreg.gather [hbm4b:s6+s3], $0x80, v3, vm0, $0xb8;
	[tilespmem:$0x18400] =	vst v63  }
0x29: {  	v3 =	vld [tilespmem:$0x10];
	_ =	sdelay $0x4  }
0x2a: {  	v57 =	vshrl.u32 v3, $0x3  }
0x2b: {  	v4 =	vmul.u32 $0x30, v57  }
0x2c: {  	v3 =	vand.u32 $0x7, v3  }
0x2d: {  	v3 =	vor.u32 v3, v4  }
0x2e: {  	v4 =	vperm.xlane v3, v0;
	_ =	sdelay $0x1  }
0x2f: {  	v4 =	vadd.s32 v1, v4;
	_ =	sdelay $0x3  }
0x30: {  	s19 =	simm.s32 $0x3400;
	v3 =	vperm.xlane v3, v2  }
0x31: {  	[tilespmem:s19], [sflag:$0x1] =	stream.indirect_vreg.gather [hbm4b:s1+s3], $0x80, v4, vm0, $0xb8;
	[tilespmem:$0x18400] =	vst v63  }
0x32: {  	s20 =	simm.s32 $0x3C00;
	v3 =	vadd.s32 v1, v3  }
0x33: {  	[tilespmem:s20], [sflag:$0x1] =	stream.indirect_vreg.gather [hbm4b:s5+s3], $0x80, v4, vm0, $0xb8;
	[tilespmem:$0x18400] =	vst v63  }
0x34: {  	s21 =	simm.s32 $0x4400  }
0x35: {  	[tilespmem:s21], [sflag:$0x1] =	stream.indirect_vreg.gather [hbm4b:s6+s3], $0x80, v4, vm0, $0xb8;
	[tilespmem:$0x18400] =	vst v63  }
0x36: {  	s22 =	simm.s32 $0x4C00  }
0x37: {  	[tilespmem:s22], [sflag:$0x1] =	stream.indirect_vreg.gather [hbm4b:s1+s3], $0x80, v3, vm0, $0xb8;
	[tilespmem:$0x18400] =	vst v63  }
0x38: {  	s23 =	simm.s32 $0x5400  }
0x39: {  	[tilespmem:s23], [sflag:$0x1] =	stream.indirect_vreg.gather [hbm4b:s5+s3], $0x80, v3, vm0, $0xb8;
	[tilespmem:$0x18400] =	vst v63  }
0x3a: {  	s24 =	simm.s32 $0x5C00  }
0x3b: {  	[tilespmem:s24], [sflag:$0x1] =	stream.indirect_vreg.gather [hbm4b:s6+s3], $0x80, v3, vm0, $0xb8;
	[tilespmem:$0x18400] =	vst v63  }
0x3c: {  	v3 =	vld [tilespmem:$0x20];
	_ =	sdelay $0x4  }
0x3d: {  	v58 =	vshrl.u32 v3, $0x3  }
0x3e: {  	v4 =	vmul.u32 $0x30, v58  }
0x3f: {  	v3 =	vand.u32 $0x7, v3  }
0x40: {  	v3 =	vor.u32 v3, v4  }
0x41: {  	v4 =	vperm.xlane v3, v0;
	_ =	sdelay $0x1  }
0x42: {  	v4 =	vadd.s32 v1, v4;
	_ =	sdelay $0x3  }
0x43: {  	s25 =	simm.s32 $0x6400;
	v3 =	vperm.xlane v3, v2  }
0x44: {  	[tilespmem:s25], [sflag:$0x1] =	stream.indirect_vreg.gather [hbm4b:s1+s3], $0x80, v4, vm0, $0xb8;
	[tilespmem:$0x18400] =	vst v63  }
0x45: {  	s26 =	simm.s32 $0x6C00;
	v3 =	vadd.s32 v1, v3  }
0x46: {  	[tilespmem:s26], [sflag:$0x1] =	stream.indirect_vreg.gather [hbm4b:s5+s3], $0x80, v4, vm0, $0xb8;
	[tilespmem:$0x18400] =	vst v63  }
0x47: {  	s28 =	simm.s32 $0x7400  }
0x48: {  	[tilespmem:s28], [sflag:$0x1] =	stream.indirect_vreg.gather [hbm4b:s6+s3], $0x80, v4, vm0, $0xb8;
	[tilespmem:$0x18400] =	vst v63  }
0x49: {  	s29 =	simm.s32 $0x7C00  }
0x4a: {  	[tilespmem:s29], [sflag:$0x1] =	stream.indirect_vreg.gather [hbm4b:s1+s3], $0x80, v3, vm0, $0xb8;
	[tilespmem:$0x18400] =	vst v63  }
0x4b: {  	s30 =	simm.s32 $0x8400  }
0x4c: {  	[tilespmem:s30], [sflag:$0x1] =	stream.indirect_vreg.gather [hbm4b:s5+s3], $0x80, v3, vm0, $0xb8;
	[tilespmem:$0x18400] =	vst v63  }
0x4d: {  	s31 =	simm.s32 $0x8C00  }
0x4e: {  	[tilespmem:s31], [sflag:$0x1] =	stream.indirect_vreg.gather [hbm4b:s6+s3], $0x80, v3, vm0, $0xb8;
	[tilespmem:$0x18400] =	vst v63  }
0x4f: {  	v3 =	vld [tilespmem:$0x30];
	_ =	sdelay $0x4  }
0x50: {  	v59 =	vshrl.u32 v3, $0x3  }
0x51: {  	v4 =	vmul.u32 $0x30, v59  }
0x52: {  	v3 =	vand.u32 $0x7, v3  }
0x53: {  	v3 =	vor.u32 v3, v4  }
0x54: {  	v4 =	vperm.xlane v3, v0;
	_ =	sdelay $0x1  }
0x55: {  	v4 =	vadd.s32 v1, v4;
	_ =	sdelay $0x3  }
0x56: {  	s8 =	simm.s32 $0x9400;
	v3 =	vperm.xlane v3, v2  }
0x57: {  	[tilespmem:s8], [sflag:$0x1] =	stream.indirect_vreg.gather [hbm4b:s1+s3], $0x80, v4, vm0, $0xb8;
	[tilespmem:$0x18400] =	vst v63  }
0x58: {  	s12 =	simm.s32 $0x9C00;
	v3 =	vadd.s32 v1, v3  }
0x59: {  	[tilespmem:s12], [sflag:$0x1] =	stream.indirect_vreg.gather [hbm4b:s5+s3], $0x80, v4, vm0, $0xb8;
	[tilespmem:$0x18400] =	vst v63  }
0x5a: {  	s15 =	simm.s32 $0xA400  }
0x5b: {  	[tilespmem:s15], [sflag:$0x1] =	stream.indirect_vreg.gather [hbm4b:s6+s3], $0x80, v4, vm0, $0xb8;
	[tilespmem:$0x18400] =	vst v63  }
0x5c: {  	s17 =	simm.s32 $0xAC00  }
0x5d: {  	[tilespmem:s17], [sflag:$0x1] =	stream.indirect_vreg.gather [hbm4b:s1+s3], $0x80, v3, vm0, $0xb8;
	[tilespmem:$0x18400] =	vst v63  }
0x5e: {  	s18 =	simm.s32 $0xB400  }
0x5f: {  	[tilespmem:s18], [sflag:$0x1] =	stream.indirect_vreg.gather [hbm4b:s5+s3], $0x80, v3, vm0, $0xb8;
	[tilespmem:$0x18400] =	vst v63  }
0x60: {  	s19 =	simm.s32 $0xBC00  }
0x61: {  	[tilespmem:s19], [sflag:$0x1] =	stream.indirect_vreg.gather [hbm4b:s6+s3], $0x80, v3, vm0, $0xb8;
	[tilespmem:$0x18400] =	vst v63  }
0x62: {  	v3 =	vld [tilespmem:$0x40];
	_ =	sdelay $0x4  }
0x63: {  	v60 =	vshrl.u32 v3, $0x3  }
0x64: {  	v4 =	vmul.u32 $0x30, v60  }
0x65: {  	v3 =	vand.u32 $0x7, v3  }
0x66: {  	v3 =	vor.u32 v3, v4  }
0x67: {  	v4 =	vperm.xlane v3, v0;
	_ =	sdelay $0x1  }
0x68: {  	v4 =	vadd.s32 v1, v4;
	_ =	sdelay $0x3  }
0x69: {  	s20 =	simm.s32 $0xC400;
	v3 =	vperm.xlane v3, v2  }
0x6a: {  	[tilespmem:s20], [sflag:$0x1] =	stream.indirect_vreg.gather [hbm4b:s1+s3], $0x80, v4, vm0, $0xb8;
	[tilespmem:$0x18400] =	vst v63  }
0x6b: {  	s21 =	simm.s32 $0xCC00;
	v3 =	vadd.s32 v1, v3  }
0x6c: {  	[tilespmem:s21], [sflag:$0x1] =	stream.indirect_vreg.gather [hbm4b:s5+s3], $0x80, v4, vm0, $0xb8;
	[tilespmem:$0x18400] =	vst v63  }
0x6d: {  	s22 =	simm.s32 $0xD400  }
0x6e: {  	[tilespmem:s22], [sflag:$0x1] =	stream.indirect_vreg.gather [hbm4b:s6+s3], $0x80, v4, vm0, $0xb8;
	[tilespmem:$0x18400] =	vst v63  }
0x6f: {  	s23 =	simm.s32 $0xDC00  }
0x70: {  	[tilespmem:s23], [sflag:$0x1] =	stream.indirect_vreg.gather [hbm4b:s1+s3], $0x80, v3, vm0, $0xb8;
	[tilespmem:$0x18400] =	vst v63  }
0x71: {  	s24 =	simm.s32 $0xE400  }
0x72: {  	[tilespmem:s24], [sflag:$0x1] =	stream.indirect_vreg.gather [hbm4b:s5+s3], $0x80, v3, vm0, $0xb8;
	[tilespmem:$0x18400] =	vst v63  }
0x73: {  	s25 =	simm.s32 $0xEC00  }
0x74: {  	[tilespmem:s25], [sflag:$0x1] =	stream.indirect_vreg.gather [hbm4b:s6+s3], $0x80, v3, vm0, $0xb8;
	[tilespmem:$0x18400] =	vst v63  }
0x75: {  	v3 =	vld [tilespmem:$0x50];
	_ =	sdelay $0x4  }
0x76: {  	v61 =	vshrl.u32 v3, $0x3  }
0x77: {  	v4 =	vmul.u32 $0x30, v61  }
0x78: {  	v3 =	vand.u32 $0x7, v3  }
0x79: {  	v3 =	vor.u32 v3, v4  }
0x7a: {  	v4 =	vperm.xlane v3, v0;
	_ =	sdelay $0x1  }
0x7b: {  	v4 =	vadd.s32 v1, v4;
	_ =	sdelay $0x3  }
0x7c: {  	s26 =	simm.s32 $0xF400;
	v3 =	vperm.xlane v3, v2  }
0x7d: {  	[tilespmem:s26], [sflag:$0x1] =	stream.indirect_vreg.gather [hbm4b:s1+s3], $0x80, v4, vm0, $0xb8;
	[tilespmem:$0x18400] =	vst v63  }
0x7e: {  	s28 =	simm.s32 $0xFC00;
	v3 =	vadd.s32 v1, v3  }
0x7f: {  	[tilespmem:s28], [sflag:$0x1] =	stream.indirect_vreg.gather [hbm4b:s5+s3], $0x80, v4, vm0, $0xb8;
	[tilespmem:$0x18400] =	vst v63  }
0x80: {  	s29 =	simm.s32 $0x10400  }
0x81: {  	[tilespmem:s29], [sflag:$0x1] =	stream.indirect_vreg.gather [hbm4b:s6+s3], $0x80, v4, vm0, $0xb8;
	[tilespmem:$0x18400] =	vst v63  }
0x82: {  	s30 =	simm.s32 $0x10C00  }
0x83: {  	[tilespmem:s30], [sflag:$0x1] =	stream.indirect_vreg.gather [hbm4b:s1+s3], $0x80, v3, vm0, $0xb8;
	[tilespmem:$0x18400] =	vst v63  }
0x84: {  	s31 =	simm.s32 $0x11400  }
0x85: {  	[tilespmem:s31], [sflag:$0x1] =	stream.indirect_vreg.gather [hbm4b:s5+s3], $0x80, v3, vm0, $0xb8;
	[tilespmem:$0x18400] =	vst v63  }
0x86: {  	s2 =	simm.s32 $0x11C00  }
0x87: {  	[tilespmem:s2], [sflag:$0x1] =	stream.indirect_vreg.gather [hbm4b:s6+s3], $0x80, v3, vm0, $0xb8;
	[tilespmem:$0x18400] =	vst v63  }
0x88: {  	v3 =	vld [tilespmem:$0x60];
	_ =	sdelay $0x4  }
0x89: {  	v62 =	vshrl.u32 v3, $0x3  }
0x8a: {  	v4 =	vmul.u32 $0x30, v62  }
0x8b: {  	v3 =	vand.u32 $0x7, v3  }
0x8c: {  	v3 =	vor.u32 v3, v4  }
0x8d: {  	v4 =	vperm.xlane v3, v0;
	_ =	sdelay $0x1  }
0x8e: {  	v4 =	vadd.s32 v1, v4;
	_ =	sdelay $0x3  }
0x8f: {  	s12 =	simm.s32 $0x12400;
	v3 =	vperm.xlane v3, v2  }
0x90: {  	[tilespmem:s12], [sflag:$0x1] =	stream.indirect_vreg.gather [hbm4b:s1+s3], $0x80, v4, vm0, $0xb8;
	[tilespmem:$0x18400] =	vst v63  }
0x91: {  	s15 =	simm.s32 $0x12C00;
	v3 =	vadd.s32 v1, v3  }
0x92: {  	[tilespmem:s15], [sflag:$0x1] =	stream.indirect_vreg.gather [hbm4b:s5+s3], $0x80, v4, vm0, $0xb8;
	[tilespmem:$0x18400] =	vst v63  }
0x93: {  	s23 =	simm.s32 $0x13400  }
0x94: {  	[tilespmem:s23], [sflag:$0x1] =	stream.indirect_vreg.gather [hbm4b:s6+s3], $0x80, v4, vm0, $0xb8;
	[tilespmem:$0x18400] =	vst v63  }
0x95: {  	s24 =	simm.s32 $0x13C00  }
0x96: {  	[tilespmem:s24], [sflag:$0x1] =	stream.indirect_vreg.gather [hbm4b:s1+s3], $0x80, v3, vm0, $0xb8;
	[tilespmem:$0x18400] =	vst v63  }
0x97: {  	s25 =	simm.s32 $0x14400  }
0x98: {  	[tilespmem:s25], [sflag:$0x1] =	stream.indirect_vreg.gather [hbm4b:s5+s3], $0x80, v3, vm0, $0xb8;
	[tilespmem:$0x18400] =	vst v63  }
0x99: {  	s26 =	simm.s32 $0x14C00  }
0x9a: {  	[tilespmem:s26], [sflag:$0x1] =	stream.indirect_vreg.gather [hbm4b:s6+s3], $0x80, v3, vm0, $0xb8;
	[tilespmem:$0x18400] =	vst v63  }
0x9b: {  	v3 =	vld [tilespmem:$0x70];
	_ =	sdelay $0x4  }
0x9c: {  	v63 =	vshrl.u32 v3, $0x3  }
0x9d: {  	v4 =	vmul.u32 $0x30, v63  }
0x9e: {  	v3 =	vand.u32 $0x7, v3  }
0x9f: {  	v3 =	vor.u32 v3, v4  }
0xa0: {  	v4 =	vperm.xlane v3, v0;
	_ =	sdelay $0x1  }
0xa1: {  	v4 =	vadd.s32 v1, v4;
	_ =	sdelay $0x3  }
0xa2: {  	s28 =	simm.s32 $0x15400;
	v3 =	vperm.xlane v3, v2  }
0xa3: {  	[tilespmem:s28], [sflag:$0x1] =	stream.indirect_vreg.gather [hbm4b:s1+s3], $0x80, v4, vm0, $0xb8;
	[tilespmem:$0x18400] =	vst v63  }
0xa4: {  	s29 =	simm.s32 $0x15C00;
	v3 =	vadd.s32 v1, v3  }
0xa5: {  	[tilespmem:s29], [sflag:$0x1] =	stream.indirect_vreg.gather [hbm4b:s5+s3], $0x80, v4, vm0, $0xb8;
	[tilespmem:$0x18400] =	vst v63  }
0xa6: {  	s30 =	simm.s32 $0x16400  }
0xa7: {  	[tilespmem:s30], [sflag:$0x1] =	stream.indirect_vreg.gather [hbm4b:s6+s3], $0x80, v4, vm0, $0xb8;
	[tilespmem:$0x18400] =	vst v63  }
0xa8: {  	s31 =	simm.s32 $0x16C00  }
0xa9: {  	[tilespmem:s31], [sflag:$0x1] =	stream.indirect_vreg.gather [hbm4b:s1+s3], $0x80, v3, vm0, $0xb8;
	[tilespmem:$0x18400] =	vst v63  }
0xaa: {  	s2 =	simm.s32 $0x17400  }
0xab: {  	[tilespmem:s2], [sflag:$0x1] =	stream.indirect_vreg.gather [hbm4b:s5+s3], $0x80, v3, vm0, $0xb8;
	[tilespmem:$0x18400] =	vst v63  }
0xac: {  	s12 =	simm.s32 $0x17C00  }
0xad: {  	[tilespmem:s12], [sflag:$0x1] =	stream.indirect_vreg.gather [hbm4b:s6+s3], $0x80, v3, vm0, $0xb8;
	[tilespmem:$0x18400] =	vst v63  }
0xae: {  	_ =	swait.ge [sflag:s0], $0x18000  }
0xaf: {  	[sflag:s0] =	ssyncset.done $0x0  }
0xb0: {  	s15 =	rddreg [dreg:$0xc];
	[sflag:s0] =	ssyncadd.s32 $0xFFFE8000  }
0xb1: {  	[hbm4b:s15+s3] =	stream.linear.scatter [tilespmem:s16], [sflag:$0x2], $0x18000, $0x38;
	[tilespmem:$0x18400] =	vst v63  }
0xb2: {  	_ =	swait.ge [sflag:s4], $0x18000  }
0xb3: {  	[sflag:s4] =	ssyncset.done $0x0  }
0xb4: {  	[sflag:s4] =	ssyncadd.s32 $0xFFFE8000  }
0xb5: {  	v3 =	vld [tilespmem:$0x80];
	_ =	sdelay $0x4  }
0xb6: {  	v8 =	vshrl.u32 v3, $0x3  }
0xb7: {  	v4 =	vmul.u32 $0x30, v8  }
0xb8: {  	v3 =	vand.u32 $0x7, v3  }
0xb9: {  	v3 =	vor.u32 v3, v4  }
0xba: {  	v4 =	vperm.xlane v3, v0;
	_ =	sdelay $0x1  }
0xbb: {  	v4 =	vadd.s32 v1, v4;
	_ =	sdelay $0x3  }
0xbc: {  	v3 =	vperm.xlane v3, v2  }
0xbd: {  	[tilespmem:s16], [sflag:$0x1] =	stream.indirect_vreg.gather [hbm4b:s1+s3], $0x80, v4, vm0, $0xb8;
	[tilespmem:$0x18400] =	vst v63  }
0xbe: {  	s25 =	simm.s32 $0xC00;
	v3 =	vadd.s32 v1, v3  }
0xbf: {  	[tilespmem:s25], [sflag:$0x1] =	stream.indirect_vreg.gather [hbm4b:s5+s3], $0x80, v4, vm0, $0xb8;
	[tilespmem:$0x18400] =	vst v63  }
0xc0: {  	s26 =	simm.s32 $0x1400  }
0xc1: {  	[tilespmem:s26], [sflag:$0x1] =	stream.indirect_vreg.gather [hbm4b:s6+s3], $0x80, v4, vm0, $0xb8;
	[tilespmem:$0x18400] =	vst v63  }
0xc2: {  	s28 =	simm.s32 $0x1C00  }
0xc3: {  	[tilespmem:s28], [sflag:$0x1] =	stream.indirect_vreg.gather [hbm4b:s1+s3], $0x80, v3, vm0, $0xb8;
	[tilespmem:$0x18400] =	vst v63  }
0xc4: {  	s29 =	simm.s32 $0x2400  }
0xc5: {  	[tilespmem:s29], [sflag:$0x1] =	stream.indirect_vreg.gather [hbm4b:s5+s3], $0x80, v3, vm0, $0xb8;
	[tilespmem:$0x18400] =	vst v63  }
0xc6: {  	s7 =	simm.s32 $0x2C00  }
0xc7: {  	[tilespmem:s7], [sflag:$0x1] =	stream.indirect_vreg.gather [hbm4b:s6+s3], $0x80, v3, vm0, $0xb8;
	[tilespmem:$0x18400] =	vst v63  }
0xc8: {  	v3 =	vld [tilespmem:$0x90];
	_ =	sdelay $0x4  }
0xc9: {  	v9 =	vshrl.u32 v3, $0x3  }
0xca: {  	v4 =	vmul.u32 $0x30, v9  }
0xcb: {  	v3 =	vand.u32 $0x7, v3  }
0xcc: {  	v3 =	vor.u32 v3, v4  }
0xcd: {  	v4 =	vperm.xlane v3, v0;
	_ =	sdelay $0x1  }
0xce: {  	v4 =	vadd.s32 v1, v4;
	_ =	sdelay $0x3  }
0xcf: {  	s9 =	simm.s32 $0x3400;
	v3 =	vperm.xlane v3, v2  }
0xd0: {  	[tilespmem:s9], [sflag:$0x1] =	stream.indirect_vreg.gather [hbm4b:s1+s3], $0x80, v4, vm0, $0xb8;
	[tilespmem:$0x18400] =	vst v63  }
0xd1: {  	s30 =	simm.s32 $0x3C00;
	v3 =	vadd.s32 v1, v3  }
0xd2: {  	[tilespmem:s30], [sflag:$0x1] =	stream.indirect_vreg.gather [hbm4b:s5+s3], $0x80, v4, vm0, $0xb8;
	[tilespmem:$0x18400] =	vst v63  }
0xd3: {  	s31 =	simm.s32 $0x4400  }
0xd4: {  	[tilespmem:s31], [sflag:$0x1] =	stream.indirect_vreg.gather [hbm4b:s6+s3], $0x80, v4, vm0, $0xb8;
	[tilespmem:$0x18400] =	vst v63  }
0xd5: {  	s2 =	simm.s32 $0x4C00  }
0xd6: {  	[tilespmem:s2], [sflag:$0x1] =	stream.indirect_vreg.gather [hbm4b:s1+s3], $0x80, v3, vm0, $0xb8;
	[tilespmem:$0x18400] =	vst v63  }
0xd7: {  	s7 =	simm.s32 $0x5400  }
0xd8: {  	[tilespmem:s7], [sflag:$0x1] =	stream.indirect_vreg.gather [hbm4b:s5+s3], $0x80, v3, vm0, $0xb8;
	[tilespmem:$0x18400] =	vst v63  }
0xd9: {  	s10 =	simm.s32 $0x5C00  }
0xda: {  	[tilespmem:s10], [sflag:$0x1] =	stream.indirect_vreg.gather [hbm4b:s6+s3], $0x80, v3, vm0, $0xb8;
	[tilespmem:$0x18400] =	vst v63  }
0xdb: {  	v3 =	vld [tilespmem:$0xA0];
	_ =	sdelay $0x4  }
0xdc: {  	v10 =	vshrl.u32 v3, $0x3  }
0xdd: {  	v4 =	vmul.u32 $0x30, v10  }
0xde: {  	v3 =	vand.u32 $0x7, v3  }
0xdf: {  	v3 =	vor.u32 v3, v4  }
0xe0: {  	v4 =	vperm.xlane v3, v0;
	_ =	sdelay $0x1  }
0xe1: {  	v4 =	vadd.s32 v1, v4;
	_ =	sdelay $0x3  }
0xe2: {  	s11 =	simm.s32 $0x6400;
	v3 =	vperm.xlane v3, v2  }
0xe3: {  	[tilespmem:s11], [sflag:$0x1] =	stream.indirect_vreg.gather [hbm4b:s1+s3], $0x80, v4, vm0, $0xb8;
	[tilespmem:$0x18400] =	vst v63  }
0xe4: {  	s9 =	simm.s32 $0x6C00;
	v3 =	vadd.s32 v1, v3  }
0xe5: {  	[tilespmem:s9], [sflag:$0x1] =	stream.indirect_vreg.gather [hbm4b:s5+s3], $0x80, v4, vm0, $0xb8;
	[tilespmem:$0x18400] =	vst v63  }
0xe6: {  	s10 =	simm.s32 $0x7400  }
0xe7: {  	[tilespmem:s10], [sflag:$0x1] =	stream.indirect_vreg.gather [hbm4b:s6+s3], $0x80, v4, vm0, $0xb8;
	[tilespmem:$0x18400] =	vst v63  }
0xe8: {  	s11 =	simm.s32 $0x7C00  }
0xe9: {  	[tilespmem:s11], [sflag:$0x1] =	stream.indirect_vreg.gather [hbm4b:s1+s3], $0x80, v3, vm0, $0xb8;
	[tilespmem:$0x18400] =	vst v63  }
0xea: {  	s12 =	simm.s32 $0x8400  }
0xeb: {  	[tilespmem:s12], [sflag:$0x1] =	stream.indirect_vreg.gather [hbm4b:s5+s3], $0x80, v3, vm0, $0xb8;
	[tilespmem:$0x18400] =	vst v63  }
0xec: {  	s13 =	simm.s32 $0x8C00  }
0xed: {  	[tilespmem:s13], [sflag:$0x1] =	stream.indirect_vreg.gather [hbm4b:s6+s3], $0x80, v3, vm0, $0xb8;
	[tilespmem:$0x18400] =	vst v63  }
0xee: {  	v3 =	vld [tilespmem:$0xB0];
	_ =	sdelay $0x4  }
0xef: {  	v11 =	vshrl.u32 v3, $0x3  }
0xf0: {  	v4 =	vmul.u32 $0x30, v11  }
0xf1: {  	v3 =	vand.u32 $0x7, v3  }
0xf2: {  	v3 =	vor.u32 v3, v4  }
0xf3: {  	v4 =	vperm.xlane v3, v0;
	_ =	sdelay $0x1  }
0xf4: {  	v4 =	vadd.s32 v1, v4;
	_ =	sdelay $0x3  }
0xf5: {  	s14 =	simm.s32 $0x9400;
	v3 =	vperm.xlane v3, v2  }
0xf6: {  	[tilespmem:s14], [sflag:$0x1] =	stream.indirect_vreg.gather [hbm4b:s1+s3], $0x80, v4, vm0, $0xb8;
	[tilespmem:$0x18400] =	vst v63  }
0xf7: {  	s13 =	simm.s32 $0x9C00;
	v3 =	vadd.s32 v1, v3  }
0xf8: {  	[tilespmem:s13], [sflag:$0x1] =	stream.indirect_vreg.gather [hbm4b:s5+s3], $0x80, v4, vm0, $0xb8;
	[tilespmem:$0x18400] =	vst v63  }
0xf9: {  	s14 =	simm.s32 $0xA400  }
0xfa: {  	[tilespmem:s14], [sflag:$0x1] =	stream.indirect_vreg.gather [hbm4b:s6+s3], $0x80, v4, vm0, $0xb8;
	[tilespmem:$0x18400] =	vst v63  }
0xfb: {  	s15 =	simm.s32 $0xAC00  }
0xfc: {  	[tilespmem:s15], [sflag:$0x1] =	stream.indirect_vreg.gather [hbm4b:s1+s3], $0x80, v3, vm0, $0xb8;
	[tilespmem:$0x18400] =	vst v63  }
0xfd: {  	s8 =	simm.s32 $0xB400  }
0xfe: {  	[tilespmem:s8], [sflag:$0x1] =	stream.indirect_vreg.gather [hbm4b:s5+s3], $0x80, v3, vm0, $0xb8;
	[tilespmem:$0x18400] =	vst v63  }
0xff: {  	s17 =	simm.s32 $0xBC00  }
0x100: {  	[tilespmem:s17], [sflag:$0x1] =	stream.indirect_vreg.gather [hbm4b:s6+s3], $0x80, v3, vm0, $0xb8;
	[tilespmem:$0x18400] =	vst v63  }
0x101: {  	v3 =	vld [tilespmem:$0xC0];
	_ =	sdelay $0x4  }
0x102: {  	v12 =	vshrl.u32 v3, $0x3  }
0x103: {  	v4 =	vmul.u32 $0x30, v12  }
0x104: {  	v3 =	vand.u32 $0x7, v3  }
0x105: {  	v3 =	vor.u32 v3, v4  }
0x106: {  	v4 =	vperm.xlane v3, v0;
	_ =	sdelay $0x1  }
0x107: {  	v4 =	vadd.s32 v1, v4;
	_ =	sdelay $0x3  }
0x108: {  	s18 =	simm.s32 $0xC400;
	v3 =	vperm.xlane v3, v2  }
0x109: {  	[tilespmem:s18], [sflag:$0x1] =	stream.indirect_vreg.gather [hbm4b:s1+s3], $0x80, v4, vm0, $0xb8;
	[tilespmem:$0x18400] =	vst v63  }
0x10a: {  	s17 =	simm.s32 $0xCC00;
	v3 =	vadd.s32 v1, v3  }
0x10b: {  	[tilespmem:s17], [sflag:$0x1] =	stream.indirect_vreg.gather [hbm4b:s5+s3], $0x80, v4, vm0, $0xb8;
	[tilespmem:$0x18400] =	vst v63  }
0x10c: {  	s18 =	simm.s32 $0xD400  }
0x10d: {  	[tilespmem:s18], [sflag:$0x1] =	stream.indirect_vreg.gather [hbm4b:s6+s3], $0x80, v4, vm0, $0xb8;
	[tilespmem:$0x18400] =	vst v63  }
0x10e: {  	s8 =	simm.s32 $0xDC00  }
0x10f: {  	[tilespmem:s8], [sflag:$0x1] =	stream.indirect_vreg.gather [hbm4b:s1+s3], $0x80, v3, vm0, $0xb8;
	[tilespmem:$0x18400] =	vst v63  }
0x110: {  	s8 =	simm.s32 $0xE400  }
0x111: {  	[tilespmem:s8], [sflag:$0x1] =	stream.indirect_vreg.gather [hbm4b:s5+s3], $0x80, v3, vm0, $0xb8;
	[tilespmem:$0x18400] =	vst v63  }
0x112: {  	s19 =	simm.s32 $0xEC00  }
0x113: {  	[tilespmem:s19], [sflag:$0x1] =	stream.indirect_vreg.gather [hbm4b:s6+s3], $0x80, v3, vm0, $0xb8;
	[tilespmem:$0x18400] =	vst v63  }
0x114: {  	v3 =	vld [tilespmem:$0xD0];
	_ =	sdelay $0x4  }
0x115: {  	v13 =	vshrl.u32 v3, $0x3  }
0x116: {  	v4 =	vmul.u32 $0x30, v13  }
0x117: {  	v3 =	vand.u32 $0x7, v3  }
0x118: {  	v3 =	vor.u32 v3, v4  }
0x119: {  	v4 =	vperm.xlane v3, v0;
	_ =	sdelay $0x1  }
0x11a: {  	v4 =	vadd.s32 v1, v4;
	_ =	sdelay $0x3  }
0x11b: {  	s20 =	simm.s32 $0xF400;
	v3 =	vperm.xlane v3, v2  }
0x11c: {  	[tilespmem:s20], [sflag:$0x1] =	stream.indirect_vreg.gather [hbm4b:s1+s3], $0x80, v4, vm0, $0xb8;
	[tilespmem:$0x18400] =	vst v63  }
0x11d: {  	s19 =	simm.s32 $0xFC00;
	v3 =	vadd.s32 v1, v3  }
0x11e: {  	[tilespmem:s19], [sflag:$0x1] =	stream.indirect_vreg.gather [hbm4b:s5+s3], $0x80, v4, vm0, $0xb8;
	[tilespmem:$0x18400] =	vst v63  }
0x11f: {  	s20 =	simm.s32 $0x10400  }
0x120: {  	[tilespmem:s20], [sflag:$0x1] =	stream.indirect_vreg.gather [hbm4b:s6+s3], $0x80, v4, vm0, $0xb8;
	[tilespmem:$0x18400] =	vst v63  }
0x121: {  	s8 =	simm.s32 $0x10C00  }
0x122: {  	[tilespmem:s8], [sflag:$0x1] =	stream.indirect_vreg.gather [hbm4b:s1+s3], $0x80, v3, vm0, $0xb8;
	[tilespmem:$0x18400] =	vst v63  }
0x123: {  	s8 =	simm.s32 $0x11400  }
0x124: {  	[tilespmem:s8], [sflag:$0x1] =	stream.indirect_vreg.gather [hbm4b:s5+s3], $0x80, v3, vm0, $0xb8;
	[tilespmem:$0x18400] =	vst v63  }
0x125: {  	s21 =	simm.s32 $0x11C00  }
0x126: {  	[tilespmem:s21], [sflag:$0x1] =	stream.indirect_vreg.gather [hbm4b:s6+s3], $0x80, v3, vm0, $0xb8;
	[tilespmem:$0x18400] =	vst v63  }
0x127: {  	v3 =	vld [tilespmem:$0xE0];
	_ =	sdelay $0x4  }
0x128: {  	v14 =	vshrl.u32 v3, $0x3  }
0x129: {  	v4 =	vmul.u32 $0x30, v14  }
0x12a: {  	v3 =	vand.u32 $0x7, v3  }
0x12b: {  	v3 =	vor.u32 v3, v4  }
0x12c: {  	v4 =	vperm.xlane v3, v0;
	_ =	sdelay $0x1  }
0x12d: {  	v4 =	vadd.s32 v1, v4;
	_ =	sdelay $0x3  }
0x12e: {  	s22 =	simm.s32 $0x12400;
	v3 =	vperm.xlane v3, v2  }
0x12f: {  	[tilespmem:s22], [sflag:$0x1] =	stream.indirect_vreg.gather [hbm4b:s1+s3], $0x80, v4, vm0, $0xb8;
	[tilespmem:$0x18400] =	vst v63  }
0x130: {  	s21 =	simm.s32 $0x12C00;
	v3 =	vadd.s32 v1, v3  }
0x131: {  	[tilespmem:s21], [sflag:$0x1] =	stream.indirect_vreg.gather [hbm4b:s5+s3], $0x80, v4, vm0, $0xb8;
	[tilespmem:$0x18400] =	vst v63  }
0x132: {  	s22 =	simm.s32 $0x13400  }
0x133: {  	[tilespmem:s22], [sflag:$0x1] =	stream.indirect_vreg.gather [hbm4b:s6+s3], $0x80, v4, vm0, $0xb8;
	[tilespmem:$0x18400] =	vst v63  }
0x134: {  	s8 =	simm.s32 $0x13C00  }
0x135: {  	[tilespmem:s8], [sflag:$0x1] =	stream.indirect_vreg.gather [hbm4b:s1+s3], $0x80, v3, vm0, $0xb8;
	[tilespmem:$0x18400] =	vst v63  }
0x136: {  	s8 =	simm.s32 $0x14400  }
0x137: {  	[tilespmem:s8], [sflag:$0x1] =	stream.indirect_vreg.gather [hbm4b:s5+s3], $0x80, v3, vm0, $0xb8;
	[tilespmem:$0x18400] =	vst v63  }
0x138: {  	s23 =	simm.s32 $0x14C00  }
0x139: {  	[tilespmem:s23], [sflag:$0x1] =	stream.indirect_vreg.gather [hbm4b:s6+s3], $0x80, v3, vm0, $0xb8;
	[tilespmem:$0x18400] =	vst v63  }
0x13a: {  	v3 =	vld [tilespmem:$0xF0];
	_ =	sdelay $0x4  }
0x13b: {  	v15 =	vshrl.u32 v3, $0x3  }
0x13c: {  	v4 =	vmul.u32 $0x30, v15  }
0x13d: {  	v3 =	vand.u32 $0x7, v3  }
0x13e: {  	v3 =	vor.u32 v3, v4  }
0x13f: {  	v4 =	vperm.xlane v3, v0;
	_ =	sdelay $0x1  }
0x140: {  	v4 =	vadd.s32 v1, v4;
	_ =	sdelay $0x3  }
0x141: {  	s24 =	simm.s32 $0x15400;
	v3 =	vperm.xlane v3, v2  }
0x142: {  	[tilespmem:s24], [sflag:$0x1] =	stream.indirect_vreg.gather [hbm4b:s1+s3], $0x80, v4, vm0, $0xb8;
	[tilespmem:$0x18400] =	vst v63  }
0x143: {  	s23 =	simm.s32 $0x15C00;
	v3 =	vadd.s32 v1, v3  }
0x144: {  	[tilespmem:s23], [sflag:$0x1] =	stream.indirect_vreg.gather [hbm4b:s5+s3], $0x80, v4, vm0, $0xb8;
	[tilespmem:$0x18400] =	vst v63  }
0x145: {  	s24 =	simm.s32 $0x16400  }
0x146: {  	[tilespmem:s24], [sflag:$0x1] =	stream.indirect_vreg.gather [hbm4b:s6+s3], $0x80, v4, vm0, $0xb8;
	[tilespmem:$0x18400] =	vst v63  }
0x147: {  	s8 =	simm.s32 $0x16C00  }
0x148: {  	[tilespmem:s8], [sflag:$0x1] =	stream.indirect_vreg.gather [hbm4b:s1+s3], $0x80, v3, vm0, $0xb8;
	[tilespmem:$0x18400] =	vst v63  }
0x149: {  	s8 =	simm.s32 $0x17400  }
0x14a: {  	[tilespmem:s8], [sflag:$0x1] =	stream.indirect_vreg.gather [hbm4b:s5+s3], $0x80, v3, vm0, $0xb8;
	[tilespmem:$0x18400] =	vst v63  }
0x14b: {  	s8 =	simm.s32 $0x17C00  }
0x14c: {  	[tilespmem:s8], [sflag:$0x1] =	stream.indirect_vreg.gather [hbm4b:s6+s3], $0x80, v3, vm0, $0xb8;
	[tilespmem:$0x18400] =	vst v63  }
0x14d: {  	_ =	swait.ge [sflag:s0], $0x18000  }
0x14e: {  	[sflag:s0] =	ssyncset.done $0x0  }
0x14f: {  	s8 =	rddreg [dreg:$0x5];
	[sflag:s0] =	ssyncadd.s32 $0xFFFE8000  }
0x150: {  	[hbm4b:s8+s3] =	stream.linear.scatter [tilespmem:s16], [sflag:$0x2], $0x18000, $0x38;
	[tilespmem:$0x18400] =	vst v63  }
0x151: {  	_ =	swait.ge [sflag:s4], $0x18000  }
0x152: {  	[sflag:s4] =	ssyncset.done $0x0  }
0x153: {  	[sflag:s4] =	ssyncadd.s32 $0xFFFE8000  }
0x154: {  	v3 =	vld [tilespmem:$0x100];
	_ =	sdelay $0x4  }
0x155: {  	v16 =	vshrl.u32 v3, $0x3  }
0x156: {  	v4 =	vmul.u32 $0x30, v16  }
0x157: {  	v3 =	vand.u32 $0x7, v3  }
0x158: {  	v3 =	vor.u32 v3, v4  }
0x159: {  	v4 =	vperm.xlane v3, v0;
	_ =	sdelay $0x1  }
0x15a: {  	v4 =	vadd.s32 v1, v4;
	_ =	sdelay $0x3  }
0x15b: {  	v3 =	vperm.xlane v3, v2  }
0x15c: {  	[tilespmem:s16], [sflag:$0x1] =	stream.indirect_vreg.gather [hbm4b:s1+s3], $0x80, v4, vm0, $0xb8;
	[tilespmem:$0x18400] =	vst v63  }
0x15d: {  	v3 =	vadd.s32 v1, v3  }
0x15e: {  	[tilespmem:s25], [sflag:$0x1] =	stream.indirect_vreg.gather [hbm4b:s5+s3], $0x80, v4, vm0, $0xb8;
	[tilespmem:$0x18400] =	vst v63  }
0x15f: {  	_ = 	snop  }
0x160: {  	[tilespmem:s26], [sflag:$0x1] =	stream.indirect_vreg.gather [hbm4b:s6+s3], $0x80, v4, vm0, $0xb8;
	[tilespmem:$0x18400] =	vst v63  }
0x161: {  	_ = 	snop  }
0x162: {  	[tilespmem:s28], [sflag:$0x1] =	stream.indirect_vreg.gather [hbm4b:s1+s3], $0x80, v3, vm0, $0xb8;
	[tilespmem:$0x18400] =	vst v63  }
0x163: {  	_ = 	snop  }
0x164: {  	[tilespmem:s29], [sflag:$0x1] =	stream.indirect_vreg.gather [hbm4b:s5+s3], $0x80, v3, vm0, $0xb8;
	[tilespmem:$0x18400] =	vst v63  }
0x165: {  	s8 =	simm.s32 $0x2C00  }
0x166: {  	[tilespmem:s8], [sflag:$0x1] =	stream.indirect_vreg.gather [hbm4b:s6+s3], $0x80, v3, vm0, $0xb8;
	[tilespmem:$0x18400] =	vst v63  }
0x167: {  	v3 =	vld [tilespmem:$0x110];
	_ =	sdelay $0x4  }
0x168: {  	v17 =	vshrl.u32 v3, $0x3  }
0x169: {  	v4 =	vmul.u32 $0x30, v17  }
0x16a: {  	v3 =	vand.u32 $0x7, v3  }
0x16b: {  	v3 =	vor.u32 v3, v4  }
0x16c: {  	v4 =	vperm.xlane v3, v0;
	_ =	sdelay $0x1  }
0x16d: {  	v4 =	vadd.s32 v1, v4;
	_ =	sdelay $0x3  }
0x16e: {  	s8 =	simm.s32 $0x3400;
	v3 =	vperm.xlane v3, v2  }
0x16f: {  	[tilespmem:s8], [sflag:$0x1] =	stream.indirect_vreg.gather [hbm4b:s1+s3], $0x80, v4, vm0, $0xb8;
	[tilespmem:$0x18400] =	vst v63  }
0x170: {  	v3 =	vadd.s32 v1, v3  }
0x171: {  	[tilespmem:s30], [sflag:$0x1] =	stream.indirect_vreg.gather [hbm4b:s5+s3], $0x80, v4, vm0, $0xb8;
	[tilespmem:$0x18400] =	vst v63  }
0x172: {  	_ = 	snop  }
0x173: {  	[tilespmem:s31], [sflag:$0x1] =	stream.indirect_vreg.gather [hbm4b:s6+s3], $0x80, v4, vm0, $0xb8;
	[tilespmem:$0x18400] =	vst v63  }
0x174: {  	_ = 	snop  }
0x175: {  	[tilespmem:s2], [sflag:$0x1] =	stream.indirect_vreg.gather [hbm4b:s1+s3], $0x80, v3, vm0, $0xb8;
	[tilespmem:$0x18400] =	vst v63  }
0x176: {  	_ = 	snop  }
0x177: {  	[tilespmem:s7], [sflag:$0x1] =	stream.indirect_vreg.gather [hbm4b:s5+s3], $0x80, v3, vm0, $0xb8;
	[tilespmem:$0x18400] =	vst v63  }
0x178: {  	s8 =	simm.s32 $0x5C00  }
0x179: {  	[tilespmem:s8], [sflag:$0x1] =	stream.indirect_vreg.gather [hbm4b:s6+s3], $0x80, v3, vm0, $0xb8;
	[tilespmem:$0x18400] =	vst v63  }
0x17a: {  	v3 =	vld [tilespmem:$0x120];
	_ =	sdelay $0x4  }
0x17b: {  	v18 =	vshrl.u32 v3, $0x3  }
0x17c: {  	v4 =	vmul.u32 $0x30, v18  }
0x17d: {  	v3 =	vand.u32 $0x7, v3  }
0x17e: {  	v3 =	vor.u32 v3, v4  }
0x17f: {  	v4 =	vperm.xlane v3, v0;
	_ =	sdelay $0x1  }
0x180: {  	v4 =	vadd.s32 v1, v4;
	_ =	sdelay $0x3  }
0x181: {  	s8 =	simm.s32 $0x6400;
	v3 =	vperm.xlane v3, v2  }
0x182: {  	[tilespmem:s8], [sflag:$0x1] =	stream.indirect_vreg.gather [hbm4b:s1+s3], $0x80, v4, vm0, $0xb8;
	[tilespmem:$0x18400] =	vst v63  }
0x183: {  	v3 =	vadd.s32 v1, v3  }
0x184: {  	[tilespmem:s9], [sflag:$0x1] =	stream.indirect_vreg.gather [hbm4b:s5+s3], $0x80, v4, vm0, $0xb8;
	[tilespmem:$0x18400] =	vst v63  }
0x185: {  	_ = 	snop  }
0x186: {  	[tilespmem:s10], [sflag:$0x1] =	stream.indirect_vreg.gather [hbm4b:s6+s3], $0x80, v4, vm0, $0xb8;
	[tilespmem:$0x18400] =	vst v63  }
0x187: {  	_ = 	snop  }
0x188: {  	[tilespmem:s11], [sflag:$0x1] =	stream.indirect_vreg.gather [hbm4b:s1+s3], $0x80, v3, vm0, $0xb8;
	[tilespmem:$0x18400] =	vst v63  }
0x189: {  	_ = 	snop  }
0x18a: {  	[tilespmem:s12], [sflag:$0x1] =	stream.indirect_vreg.gather [hbm4b:s5+s3], $0x80, v3, vm0, $0xb8;
	[tilespmem:$0x18400] =	vst v63  }
0x18b: {  	s8 =	simm.s32 $0x8C00  }
0x18c: {  	[tilespmem:s8], [sflag:$0x1] =	stream.indirect_vreg.gather [hbm4b:s6+s3], $0x80, v3, vm0, $0xb8;
	[tilespmem:$0x18400] =	vst v63  }
0x18d: {  	v3 =	vld [tilespmem:$0x130];
	_ =	sdelay $0x4  }
0x18e: {  	v19 =	vshrl.u32 v3, $0x3  }
0x18f: {  	v4 =	vmul.u32 $0x30, v19  }
0x190: {  	v3 =	vand.u32 $0x7, v3  }
0x191: {  	v3 =	vor.u32 v3, v4  }
0x192: {  	v4 =	vperm.xlane v3, v0;
	_ =	sdelay $0x1  }
0x193: {  	v4 =	vadd.s32 v1, v4;
	_ =	sdelay $0x3  }
0x194: {  	s8 =	simm.s32 $0x9400;
	v3 =	vperm.xlane v3, v2  }
0x195: {  	[tilespmem:s8], [sflag:$0x1] =	stream.indirect_vreg.gather [hbm4b:s1+s3], $0x80, v4, vm0, $0xb8;
	[tilespmem:$0x18400] =	vst v63  }
0x196: {  	v3 =	vadd.s32 v1, v3  }
0x197: {  	[tilespmem:s13], [sflag:$0x1] =	stream.indirect_vreg.gather [hbm4b:s5+s3], $0x80, v4, vm0, $0xb8;
	[tilespmem:$0x18400] =	vst v63  }
0x198: {  	_ = 	snop  }
0x199: {  	[tilespmem:s14], [sflag:$0x1] =	stream.indirect_vreg.gather [hbm4b:s6+s3], $0x80, v4, vm0, $0xb8;
	[tilespmem:$0x18400] =	vst v63  }
0x19a: {  	_ = 	snop  }
0x19b: {  	[tilespmem:s15], [sflag:$0x1] =	stream.indirect_vreg.gather [hbm4b:s1+s3], $0x80, v3, vm0, $0xb8;
	[tilespmem:$0x18400] =	vst v63  }
0x19c: {  	s8 =	simm.s32 $0xB400  }
0x19d: {  	[tilespmem:s8], [sflag:$0x1] =	stream.indirect_vreg.gather [hbm4b:s5+s3], $0x80, v3, vm0, $0xb8;
	[tilespmem:$0x18400] =	vst v63  }
0x19e: {  	s8 =	simm.s32 $0xBC00  }
0x19f: {  	[tilespmem:s8], [sflag:$0x1] =	stream.indirect_vreg.gather [hbm4b:s6+s3], $0x80, v3, vm0, $0xb8;
	[tilespmem:$0x18400] =	vst v63  }
0x1a0: {  	v3 =	vld [tilespmem:$0x140];
	_ =	sdelay $0x4  }
0x1a1: {  	v20 =	vshrl.u32 v3, $0x3  }
0x1a2: {  	v4 =	vmul.u32 $0x30, v20  }
0x1a3: {  	v3 =	vand.u32 $0x7, v3  }
0x1a4: {  	v3 =	vor.u32 v3, v4  }
0x1a5: {  	v4 =	vperm.xlane v3, v0;
	_ =	sdelay $0x1  }
0x1a6: {  	v4 =	vadd.s32 v1, v4;
	_ =	sdelay $0x3  }
0x1a7: {  	s8 =	simm.s32 $0xC400;
	v3 =	vperm.xlane v3, v2  }
0x1a8: {  	[tilespmem:s8], [sflag:$0x1] =	stream.indirect_vreg.gather [hbm4b:s1+s3], $0x80, v4, vm0, $0xb8;
	[tilespmem:$0x18400] =	vst v63  }
0x1a9: {  	s17 =	simm.s32 $0xCC00;
	v3 =	vadd.s32 v1, v3  }
0x1aa: {  	[tilespmem:s17], [sflag:$0x1] =	stream.indirect_vreg.gather [hbm4b:s5+s3], $0x80, v4, vm0, $0xb8;
	[tilespmem:$0x18400] =	vst v63  }
0x1ab: {  	s18 =	simm.s32 $0xD400  }
0x1ac: {  	[tilespmem:s18], [sflag:$0x1] =	stream.indirect_vreg.gather [hbm4b:s6+s3], $0x80, v4, vm0, $0xb8;
	[tilespmem:$0x18400] =	vst v63  }
0x1ad: {  	s8 =	simm.s32 $0xDC00  }
0x1ae: {  	[tilespmem:s8], [sflag:$0x1] =	stream.indirect_vreg.gather [hbm4b:s1+s3], $0x80, v3, vm0, $0xb8;
	[tilespmem:$0x18400] =	vst v63  }
0x1af: {  	s8 =	simm.s32 $0xE400  }
0x1b0: {  	[tilespmem:s8], [sflag:$0x1] =	stream.indirect_vreg.gather [hbm4b:s5+s3], $0x80, v3, vm0, $0xb8;
	[tilespmem:$0x18400] =	vst v63  }
0x1b1: {  	s8 =	simm.s32 $0xEC00  }
0x1b2: {  	[tilespmem:s8], [sflag:$0x1] =	stream.indirect_vreg.gather [hbm4b:s6+s3], $0x80, v3, vm0, $0xb8;
	[tilespmem:$0x18400] =	vst v63  }
0x1b3: {  	v3 =	vld [tilespmem:$0x150];
	_ =	sdelay $0x4  }
0x1b4: {  	v21 =	vshrl.u32 v3, $0x3  }
0x1b5: {  	v4 =	vmul.u32 $0x30, v21  }
0x1b6: {  	v3 =	vand.u32 $0x7, v3  }
0x1b7: {  	v3 =	vor.u32 v3, v4  }
0x1b8: {  	v4 =	vperm.xlane v3, v0;
	_ =	sdelay $0x1  }
0x1b9: {  	v4 =	vadd.s32 v1, v4;
	_ =	sdelay $0x3  }
0x1ba: {  	s8 =	simm.s32 $0xF400;
	v3 =	vperm.xlane v3, v2  }
0x1bb: {  	[tilespmem:s8], [sflag:$0x1] =	stream.indirect_vreg.gather [hbm4b:s1+s3], $0x80, v4, vm0, $0xb8;
	[tilespmem:$0x18400] =	vst v63  }
0x1bc: {  	s19 =	simm.s32 $0xFC00;
	v3 =	vadd.s32 v1, v3  }
0x1bd: {  	[tilespmem:s19], [sflag:$0x1] =	stream.indirect_vreg.gather [hbm4b:s5+s3], $0x80, v4, vm0, $0xb8;
	[tilespmem:$0x18400] =	vst v63  }
0x1be: {  	s20 =	simm.s32 $0x10400  }
0x1bf: {  	[tilespmem:s20], [sflag:$0x1] =	stream.indirect_vreg.gather [hbm4b:s6+s3], $0x80, v4, vm0, $0xb8;
	[tilespmem:$0x18400] =	vst v63  }
0x1c0: {  	s8 =	simm.s32 $0x10C00  }
0x1c1: {  	[tilespmem:s8], [sflag:$0x1] =	stream.indirect_vreg.gather [hbm4b:s1+s3], $0x80, v3, vm0, $0xb8;
	[tilespmem:$0x18400] =	vst v63  }
0x1c2: {  	s8 =	simm.s32 $0x11400  }
0x1c3: {  	[tilespmem:s8], [sflag:$0x1] =	stream.indirect_vreg.gather [hbm4b:s5+s3], $0x80, v3, vm0, $0xb8;
	[tilespmem:$0x18400] =	vst v63  }
0x1c4: {  	s8 =	simm.s32 $0x11C00  }
0x1c5: {  	[tilespmem:s8], [sflag:$0x1] =	stream.indirect_vreg.gather [hbm4b:s6+s3], $0x80, v3, vm0, $0xb8;
	[tilespmem:$0x18400] =	vst v63  }
0x1c6: {  	v3 =	vld [tilespmem:$0x160];
	_ =	sdelay $0x4  }
0x1c7: {  	v22 =	vshrl.u32 v3, $0x3  }
0x1c8: {  	v4 =	vmul.u32 $0x30, v22  }
0x1c9: {  	v3 =	vand.u32 $0x7, v3  }
0x1ca: {  	v3 =	vor.u32 v3, v4  }
0x1cb: {  	v4 =	vperm.xlane v3, v0;
	_ =	sdelay $0x1  }
0x1cc: {  	v4 =	vadd.s32 v1, v4;
	_ =	sdelay $0x3  }
0x1cd: {  	s8 =	simm.s32 $0x12400;
	v3 =	vperm.xlane v3, v2  }
0x1ce: {  	[tilespmem:s8], [sflag:$0x1] =	stream.indirect_vreg.gather [hbm4b:s1+s3], $0x80, v4, vm0, $0xb8;
	[tilespmem:$0x18400] =	vst v63  }
0x1cf: {  	s21 =	simm.s32 $0x12C00;
	v3 =	vadd.s32 v1, v3  }
0x1d0: {  	[tilespmem:s21], [sflag:$0x1] =	stream.indirect_vreg.gather [hbm4b:s5+s3], $0x80, v4, vm0, $0xb8;
	[tilespmem:$0x18400] =	vst v63  }
0x1d1: {  	s22 =	simm.s32 $0x13400  }
0x1d2: {  	[tilespmem:s22], [sflag:$0x1] =	stream.indirect_vreg.gather [hbm4b:s6+s3], $0x80, v4, vm0, $0xb8;
	[tilespmem:$0x18400] =	vst v63  }
0x1d3: {  	s8 =	simm.s32 $0x13C00  }
0x1d4: {  	[tilespmem:s8], [sflag:$0x1] =	stream.indirect_vreg.gather [hbm4b:s1+s3], $0x80, v3, vm0, $0xb8;
	[tilespmem:$0x18400] =	vst v63  }
0x1d5: {  	s8 =	simm.s32 $0x14400  }
0x1d6: {  	[tilespmem:s8], [sflag:$0x1] =	stream.indirect_vreg.gather [hbm4b:s5+s3], $0x80, v3, vm0, $0xb8;
	[tilespmem:$0x18400] =	vst v63  }
0x1d7: {  	s8 =	simm.s32 $0x14C00  }
0x1d8: {  	[tilespmem:s8], [sflag:$0x1] =	stream.indirect_vreg.gather [hbm4b:s6+s3], $0x80, v3, vm0, $0xb8;
	[tilespmem:$0x18400] =	vst v63  }
0x1d9: {  	v3 =	vld [tilespmem:$0x170];
	_ =	sdelay $0x4  }
0x1da: {  	v23 =	vshrl.u32 v3, $0x3  }
0x1db: {  	v4 =	vmul.u32 $0x30, v23  }
0x1dc: {  	v3 =	vand.u32 $0x7, v3  }
0x1dd: {  	v3 =	vor.u32 v3, v4  }
0x1de: {  	v4 =	vperm.xlane v3, v0;
	_ =	sdelay $0x1  }
0x1df: {  	v4 =	vadd.s32 v1, v4;
	_ =	sdelay $0x3  }
0x1e0: {  	s8 =	simm.s32 $0x15400;
	v3 =	vperm.xlane v3, v2  }
0x1e1: {  	[tilespmem:s8], [sflag:$0x1] =	stream.indirect_vreg.gather [hbm4b:s1+s3], $0x80, v4, vm0, $0xb8;
	[tilespmem:$0x18400] =	vst v63  }
0x1e2: {  	s23 =	simm.s32 $0x15C00;
	v3 =	vadd.s32 v1, v3  }
0x1e3: {  	[tilespmem:s23], [sflag:$0x1] =	stream.indirect_vreg.gather [hbm4b:s5+s3], $0x80, v4, vm0, $0xb8;
	[tilespmem:$0x18400] =	vst v63  }
0x1e4: {  	s24 =	simm.s32 $0x16400  }
0x1e5: {  	[tilespmem:s24], [sflag:$0x1] =	stream.indirect_vreg.gather [hbm4b:s6+s3], $0x80, v4, vm0, $0xb8;
	[tilespmem:$0x18400] =	vst v63  }
0x1e6: {  	s8 =	simm.s32 $0x16C00  }
0x1e7: {  	[tilespmem:s8], [sflag:$0x1] =	stream.indirect_vreg.gather [hbm4b:s1+s3], $0x80, v3, vm0, $0xb8;
	[tilespmem:$0x18400] =	vst v63  }
0x1e8: {  	s8 =	simm.s32 $0x17400  }
0x1e9: {  	[tilespmem:s8], [sflag:$0x1] =	stream.indirect_vreg.gather [hbm4b:s5+s3], $0x80, v3, vm0, $0xb8;
	[tilespmem:$0x18400] =	vst v63  }
0x1ea: {  	s8 =	simm.s32 $0x17C00  }
0x1eb: {  	[tilespmem:s8], [sflag:$0x1] =	stream.indirect_vreg.gather [hbm4b:s6+s3], $0x80, v3, vm0, $0xb8;
	[tilespmem:$0x18400] =	vst v63  }
0x1ec: {  	_ =	swait.ge [sflag:s0], $0x18000  }
0x1ed: {  	[sflag:s0] =	ssyncset.done $0x0  }
0x1ee: {  	s8 =	rddreg [dreg:$0x6];
	[sflag:s0] =	ssyncadd.s32 $0xFFFE8000  }
0x1ef: {  	[hbm4b:s8+s3] =	stream.linear.scatter [tilespmem:s16], [sflag:$0x2], $0x18000, $0x38;
	[tilespmem:$0x18400] =	vst v63  }
0x1f0: {  	_ =	swait.ge [sflag:s4], $0x18000  }
0x1f1: {  	[sflag:s4] =	ssyncset.done $0x0  }
0x1f2: {  	[sflag:s4] =	ssyncadd.s32 $0xFFFE8000  }
0x1f3: {  	v3 =	vld [tilespmem:$0x180];
	_ =	sdelay $0x4  }
0x1f4: {  	v24 =	vshrl.u32 v3, $0x3  }
0x1f5: {  	v4 =	vmul.u32 $0x30, v24  }
0x1f6: {  	v3 =	vand.u32 $0x7, v3  }
0x1f7: {  	v3 =	vor.u32 v3, v4  }
0x1f8: {  	v4 =	vperm.xlane v3, v0;
	_ =	sdelay $0x1  }
0x1f9: {  	v4 =	vadd.s32 v1, v4;
	_ =	sdelay $0x3  }
0x1fa: {  	v3 =	vperm.xlane v3, v2  }
0x1fb: {  	[tilespmem:s16], [sflag:$0x1] =	stream.indirect_vreg.gather [hbm4b:s1+s3], $0x80, v4, vm0, $0xb8;
	[tilespmem:$0x18400] =	vst v63  }
0x1fc: {  	s25 =	simm.s32 $0xC00;
	v3 =	vadd.s32 v1, v3  }
0x1fd: {  	[tilespmem:s25], [sflag:$0x1] =	stream.indirect_vreg.gather [hbm4b:s5+s3], $0x80, v4, vm0, $0xb8;
	[tilespmem:$0x18400] =	vst v63  }
0x1fe: {  	s26 =	simm.s32 $0x1400  }
0x1ff: {  	[tilespmem:s26], [sflag:$0x1] =	stream.indirect_vreg.gather [hbm4b:s6+s3], $0x80, v4, vm0, $0xb8;
	[tilespmem:$0x18400] =	vst v63  }
0x200: {  	s28 =	simm.s32 $0x1C00  }
0x201: {  	[tilespmem:s28], [sflag:$0x1] =	stream.indirect_vreg.gather [hbm4b:s1+s3], $0x80, v3, vm0, $0xb8;
	[tilespmem:$0x18400] =	vst v63  }
0x202: {  	s29 =	simm.s32 $0x2400  }
0x203: {  	[tilespmem:s29], [sflag:$0x1] =	stream.indirect_vreg.gather [hbm4b:s5+s3], $0x80, v3, vm0, $0xb8;
	[tilespmem:$0x18400] =	vst v63  }
0x204: {  	s8 =	simm.s32 $0x2C00  }
0x205: {  	[tilespmem:s8], [sflag:$0x1] =	stream.indirect_vreg.gather [hbm4b:s6+s3], $0x80, v3, vm0, $0xb8;
	[tilespmem:$0x18400] =	vst v63  }
0x206: {  	v3 =	vld [tilespmem:$0x190];
	_ =	sdelay $0x4  }
0x207: {  	v25 =	vshrl.u32 v3, $0x3  }
0x208: {  	v4 =	vmul.u32 $0x30, v25  }
0x209: {  	v3 =	vand.u32 $0x7, v3  }
0x20a: {  	v3 =	vor.u32 v3, v4  }
0x20b: {  	v4 =	vperm.xlane v3, v0;
	_ =	sdelay $0x1  }
0x20c: {  	v4 =	vadd.s32 v1, v4;
	_ =	sdelay $0x3  }
0x20d: {  	s8 =	simm.s32 $0x3400;
	v3 =	vperm.xlane v3, v2  }
0x20e: {  	[tilespmem:s8], [sflag:$0x1] =	stream.indirect_vreg.gather [hbm4b:s1+s3], $0x80, v4, vm0, $0xb8;
	[tilespmem:$0x18400] =	vst v63  }
0x20f: {  	s30 =	simm.s32 $0x3C00;
	v3 =	vadd.s32 v1, v3  }
0x210: {  	[tilespmem:s30], [sflag:$0x1] =	stream.indirect_vreg.gather [hbm4b:s5+s3], $0x80, v4, vm0, $0xb8;
	[tilespmem:$0x18400] =	vst v63  }
0x211: {  	s31 =	simm.s32 $0x4400  }
0x212: {  	[tilespmem:s31], [sflag:$0x1] =	stream.indirect_vreg.gather [hbm4b:s6+s3], $0x80, v4, vm0, $0xb8;
	[tilespmem:$0x18400] =	vst v63  }
0x213: {  	s2 =	simm.s32 $0x4C00  }
0x214: {  	[tilespmem:s2], [sflag:$0x1] =	stream.indirect_vreg.gather [hbm4b:s1+s3], $0x80, v3, vm0, $0xb8;
	[tilespmem:$0x18400] =	vst v63  }
0x215: {  	s7 =	simm.s32 $0x5400  }
0x216: {  	[tilespmem:s7], [sflag:$0x1] =	stream.indirect_vreg.gather [hbm4b:s5+s3], $0x80, v3, vm0, $0xb8;
	[tilespmem:$0x18400] =	vst v63  }
0x217: {  	s8 =	simm.s32 $0x5C00  }
0x218: {  	[tilespmem:s8], [sflag:$0x1] =	stream.indirect_vreg.gather [hbm4b:s6+s3], $0x80, v3, vm0, $0xb8;
	[tilespmem:$0x18400] =	vst v63  }
0x219: {  	v3 =	vld [tilespmem:$0x1A0];
	_ =	sdelay $0x4  }
0x21a: {  	v26 =	vshrl.u32 v3, $0x3  }
0x21b: {  	v4 =	vmul.u32 $0x30, v26  }
0x21c: {  	v3 =	vand.u32 $0x7, v3  }
0x21d: {  	v3 =	vor.u32 v3, v4  }
0x21e: {  	v4 =	vperm.xlane v3, v0;
	_ =	sdelay $0x1  }
0x21f: {  	v4 =	vadd.s32 v1, v4;
	_ =	sdelay $0x3  }
0x220: {  	s8 =	simm.s32 $0x6400;
	v3 =	vperm.xlane v3, v2  }
0x221: {  	[tilespmem:s8], [sflag:$0x1] =	stream.indirect_vreg.gather [hbm4b:s1+s3], $0x80, v4, vm0, $0xb8;
	[tilespmem:$0x18400] =	vst v63  }
0x222: {  	s9 =	simm.s32 $0x6C00;
	v3 =	vadd.s32 v1, v3  }
0x223: {  	[tilespmem:s9], [sflag:$0x1] =	stream.indirect_vreg.gather [hbm4b:s5+s3], $0x80, v4, vm0, $0xb8;
	[tilespmem:$0x18400] =	vst v63  }
0x224: {  	s10 =	simm.s32 $0x7400  }
0x225: {  	[tilespmem:s10], [sflag:$0x1] =	stream.indirect_vreg.gather [hbm4b:s6+s3], $0x80, v4, vm0, $0xb8;
	[tilespmem:$0x18400] =	vst v63  }
0x226: {  	s11 =	simm.s32 $0x7C00  }
0x227: {  	[tilespmem:s11], [sflag:$0x1] =	stream.indirect_vreg.gather [hbm4b:s1+s3], $0x80, v3, vm0, $0xb8;
	[tilespmem:$0x18400] =	vst v63  }
0x228: {  	s12 =	simm.s32 $0x8400  }
0x229: {  	[tilespmem:s12], [sflag:$0x1] =	stream.indirect_vreg.gather [hbm4b:s5+s3], $0x80, v3, vm0, $0xb8;
	[tilespmem:$0x18400] =	vst v63  }
0x22a: {  	s8 =	simm.s32 $0x8C00  }
0x22b: {  	[tilespmem:s8], [sflag:$0x1] =	stream.indirect_vreg.gather [hbm4b:s6+s3], $0x80, v3, vm0, $0xb8;
	[tilespmem:$0x18400] =	vst v63  }
0x22c: {  	v3 =	vld [tilespmem:$0x1B0];
	_ =	sdelay $0x4  }
0x22d: {  	v27 =	vshrl.u32 v3, $0x3  }
0x22e: {  	v4 =	vmul.u32 $0x30, v27  }
0x22f: {  	v3 =	vand.u32 $0x7, v3  }
0x230: {  	v3 =	vor.u32 v3, v4  }
0x231: {  	v4 =	vperm.xlane v3, v0;
	_ =	sdelay $0x1  }
0x232: {  	v4 =	vadd.s32 v1, v4;
	_ =	sdelay $0x3  }
0x233: {  	s8 =	simm.s32 $0x9400;
	v3 =	vperm.xlane v3, v2  }
0x234: {  	[tilespmem:s8], [sflag:$0x1] =	stream.indirect_vreg.gather [hbm4b:s1+s3], $0x80, v4, vm0, $0xb8;
	[tilespmem:$0x18400] =	vst v63  }
0x235: {  	s13 =	simm.s32 $0x9C00;
	v3 =	vadd.s32 v1, v3  }
0x236: {  	[tilespmem:s13], [sflag:$0x1] =	stream.indirect_vreg.gather [hbm4b:s5+s3], $0x80, v4, vm0, $0xb8;
	[tilespmem:$0x18400] =	vst v63  }
0x237: {  	s14 =	simm.s32 $0xA400  }
0x238: {  	[tilespmem:s14], [sflag:$0x1] =	stream.indirect_vreg.gather [hbm4b:s6+s3], $0x80, v4, vm0, $0xb8;
	[tilespmem:$0x18400] =	vst v63  }
0x239: {  	s15 =	simm.s32 $0xAC00  }
0x23a: {  	[tilespmem:s15], [sflag:$0x1] =	stream.indirect_vreg.gather [hbm4b:s1+s3], $0x80, v3, vm0, $0xb8;
	[tilespmem:$0x18400] =	vst v63  }
0x23b: {  	s8 =	simm.s32 $0xB400  }
0x23c: {  	[tilespmem:s8], [sflag:$0x1] =	stream.indirect_vreg.gather [hbm4b:s5+s3], $0x80, v3, vm0, $0xb8;
	[tilespmem:$0x18400] =	vst v63  }
0x23d: {  	s8 =	simm.s32 $0xBC00  }
0x23e: {  	[tilespmem:s8], [sflag:$0x1] =	stream.indirect_vreg.gather [hbm4b:s6+s3], $0x80, v3, vm0, $0xb8;
	[tilespmem:$0x18400] =	vst v63  }
0x23f: {  	v3 =	vld [tilespmem:$0x1C0];
	_ =	sdelay $0x4  }
0x240: {  	v28 =	vshrl.u32 v3, $0x3  }
0x241: {  	v4 =	vmul.u32 $0x30, v28  }
0x242: {  	v3 =	vand.u32 $0x7, v3  }
0x243: {  	v3 =	vor.u32 v3, v4  }
0x244: {  	v4 =	vperm.xlane v3, v0;
	_ =	sdelay $0x1  }
0x245: {  	v4 =	vadd.s32 v1, v4;
	_ =	sdelay $0x3  }
0x246: {  	s8 =	simm.s32 $0xC400;
	v3 =	vperm.xlane v3, v2  }
0x247: {  	[tilespmem:s8], [sflag:$0x1] =	stream.indirect_vreg.gather [hbm4b:s1+s3], $0x80, v4, vm0, $0xb8;
	[tilespmem:$0x18400] =	vst v63  }
0x248: {  	s17 =	simm.s32 $0xCC00;
	v3 =	vadd.s32 v1, v3  }
0x249: {  	[tilespmem:s17], [sflag:$0x1] =	stream.indirect_vreg.gather [hbm4b:s5+s3], $0x80, v4, vm0, $0xb8;
	[tilespmem:$0x18400] =	vst v63  }
0x24a: {  	s18 =	simm.s32 $0xD400  }
0x24b: {  	[tilespmem:s18], [sflag:$0x1] =	stream.indirect_vreg.gather [hbm4b:s6+s3], $0x80, v4, vm0, $0xb8;
	[tilespmem:$0x18400] =	vst v63  }
0x24c: {  	s8 =	simm.s32 $0xDC00  }
0x24d: {  	[tilespmem:s8], [sflag:$0x1] =	stream.indirect_vreg.gather [hbm4b:s1+s3], $0x80, v3, vm0, $0xb8;
	[tilespmem:$0x18400] =	vst v63  }
0x24e: {  	s8 =	simm.s32 $0xE400  }
0x24f: {  	[tilespmem:s8], [sflag:$0x1] =	stream.indirect_vreg.gather [hbm4b:s5+s3], $0x80, v3, vm0, $0xb8;
	[tilespmem:$0x18400] =	vst v63  }
0x250: {  	s8 =	simm.s32 $0xEC00  }
0x251: {  	[tilespmem:s8], [sflag:$0x1] =	stream.indirect_vreg.gather [hbm4b:s6+s3], $0x80, v3, vm0, $0xb8;
	[tilespmem:$0x18400] =	vst v63  }
0x252: {  	v3 =	vld [tilespmem:$0x1D0];
	_ =	sdelay $0x4  }
0x253: {  	v29 =	vshrl.u32 v3, $0x3  }
0x254: {  	v4 =	vmul.u32 $0x30, v29  }
0x255: {  	v3 =	vand.u32 $0x7, v3  }
0x256: {  	v3 =	vor.u32 v3, v4  }
0x257: {  	v4 =	vperm.xlane v3, v0;
	_ =	sdelay $0x1  }
0x258: {  	v4 =	vadd.s32 v1, v4;
	_ =	sdelay $0x3  }
0x259: {  	s8 =	simm.s32 $0xF400;
	v3 =	vperm.xlane v3, v2  }
0x25a: {  	[tilespmem:s8], [sflag:$0x1] =	stream.indirect_vreg.gather [hbm4b:s1+s3], $0x80, v4, vm0, $0xb8;
	[tilespmem:$0x18400] =	vst v63  }
0x25b: {  	s19 =	simm.s32 $0xFC00;
	v3 =	vadd.s32 v1, v3  }
0x25c: {  	[tilespmem:s19], [sflag:$0x1] =	stream.indirect_vreg.gather [hbm4b:s5+s3], $0x80, v4, vm0, $0xb8;
	[tilespmem:$0x18400] =	vst v63  }
0x25d: {  	s20 =	simm.s32 $0x10400  }
0x25e: {  	[tilespmem:s20], [sflag:$0x1] =	stream.indirect_vreg.gather [hbm4b:s6+s3], $0x80, v4, vm0, $0xb8;
	[tilespmem:$0x18400] =	vst v63  }
0x25f: {  	s8 =	simm.s32 $0x10C00  }
0x260: {  	[tilespmem:s8], [sflag:$0x1] =	stream.indirect_vreg.gather [hbm4b:s1+s3], $0x80, v3, vm0, $0xb8;
	[tilespmem:$0x18400] =	vst v63  }
0x261: {  	s8 =	simm.s32 $0x11400  }
0x262: {  	[tilespmem:s8], [sflag:$0x1] =	stream.indirect_vreg.gather [hbm4b:s5+s3], $0x80, v3, vm0, $0xb8;
	[tilespmem:$0x18400] =	vst v63  }
0x263: {  	s8 =	simm.s32 $0x11C00  }
0x264: {  	[tilespmem:s8], [sflag:$0x1] =	stream.indirect_vreg.gather [hbm4b:s6+s3], $0x80, v3, vm0, $0xb8;
	[tilespmem:$0x18400] =	vst v63  }
0x265: {  	v3 =	vld [tilespmem:$0x1E0];
	_ =	sdelay $0x4  }
0x266: {  	v30 =	vshrl.u32 v3, $0x3  }
0x267: {  	v4 =	vmul.u32 $0x30, v30  }
0x268: {  	v3 =	vand.u32 $0x7, v3  }
0x269: {  	v3 =	vor.u32 v3, v4  }
0x26a: {  	v4 =	vperm.xlane v3, v0;
	_ =	sdelay $0x1  }
0x26b: {  	v4 =	vadd.s32 v1, v4;
	_ =	sdelay $0x3  }
0x26c: {  	s8 =	simm.s32 $0x12400;
	v3 =	vperm.xlane v3, v2  }
0x26d: {  	[tilespmem:s8], [sflag:$0x1] =	stream.indirect_vreg.gather [hbm4b:s1+s3], $0x80, v4, vm0, $0xb8;
	[tilespmem:$0x18400] =	vst v63  }
0x26e: {  	s21 =	simm.s32 $0x12C00;
	v3 =	vadd.s32 v1, v3  }
0x26f: {  	[tilespmem:s21], [sflag:$0x1] =	stream.indirect_vreg.gather [hbm4b:s5+s3], $0x80, v4, vm0, $0xb8;
	[tilespmem:$0x18400] =	vst v63  }
0x270: {  	s22 =	simm.s32 $0x13400  }
0x271: {  	[tilespmem:s22], [sflag:$0x1] =	stream.indirect_vreg.gather [hbm4b:s6+s3], $0x80, v4, vm0, $0xb8;
	[tilespmem:$0x18400] =	vst v63  }
0x272: {  	s8 =	simm.s32 $0x13C00  }
0x273: {  	[tilespmem:s8], [sflag:$0x1] =	stream.indirect_vreg.gather [hbm4b:s1+s3], $0x80, v3, vm0, $0xb8;
	[tilespmem:$0x18400] =	vst v63  }
0x274: {  	s8 =	simm.s32 $0x14400  }
0x275: {  	[tilespmem:s8], [sflag:$0x1] =	stream.indirect_vreg.gather [hbm4b:s5+s3], $0x80, v3, vm0, $0xb8;
	[tilespmem:$0x18400] =	vst v63  }
0x276: {  	s8 =	simm.s32 $0x14C00  }
0x277: {  	[tilespmem:s8], [sflag:$0x1] =	stream.indirect_vreg.gather [hbm4b:s6+s3], $0x80, v3, vm0, $0xb8;
	[tilespmem:$0x18400] =	vst v63  }
0x278: {  	v3 =	vld [tilespmem:$0x1F0];
	_ =	sdelay $0x4  }
0x279: {  	v31 =	vshrl.u32 v3, $0x3  }
0x27a: {  	v4 =	vmul.u32 $0x30, v31  }
0x27b: {  	v3 =	vand.u32 $0x7, v3  }
0x27c: {  	v3 =	vor.u32 v3, v4  }
0x27d: {  	v4 =	vperm.xlane v3, v0;
	_ =	sdelay $0x1  }
0x27e: {  	v4 =	vadd.s32 v1, v4;
	_ =	sdelay $0x3  }
0x27f: {  	s8 =	simm.s32 $0x15400;
	v3 =	vperm.xlane v3, v2  }
0x280: {  	[tilespmem:s8], [sflag:$0x1] =	stream.indirect_vreg.gather [hbm4b:s1+s3], $0x80, v4, vm0, $0xb8;
	[tilespmem:$0x18400] =	vst v63  }
0x281: {  	s23 =	simm.s32 $0x15C00;
	v3 =	vadd.s32 v1, v3  }
0x282: {  	[tilespmem:s23], [sflag:$0x1] =	stream.indirect_vreg.gather [hbm4b:s5+s3], $0x80, v4, vm0, $0xb8;
	[tilespmem:$0x18400] =	vst v63  }
0x283: {  	s24 =	simm.s32 $0x16400  }
0x284: {  	[tilespmem:s24], [sflag:$0x1] =	stream.indirect_vreg.gather [hbm4b:s6+s3], $0x80, v4, vm0, $0xb8;
	[tilespmem:$0x18400] =	vst v63  }
0x285: {  	s8 =	simm.s32 $0x16C00  }
0x286: {  	[tilespmem:s8], [sflag:$0x1] =	stream.indirect_vreg.gather [hbm4b:s1+s3], $0x80, v3, vm0, $0xb8;
	[tilespmem:$0x18400] =	vst v63  }
0x287: {  	s8 =	simm.s32 $0x17400  }
0x288: {  	[tilespmem:s8], [sflag:$0x1] =	stream.indirect_vreg.gather [hbm4b:s5+s3], $0x80, v3, vm0, $0xb8;
	[tilespmem:$0x18400] =	vst v63  }
0x289: {  	s8 =	simm.s32 $0x17C00  }
0x28a: {  	[tilespmem:s8], [sflag:$0x1] =	stream.indirect_vreg.gather [hbm4b:s6+s3], $0x80, v3, vm0, $0xb8;
	[tilespmem:$0x18400] =	vst v63  }
0x28b: {  	_ =	swait.ge [sflag:s0], $0x18000  }
0x28c: {  	[sflag:s0] =	ssyncset.done $0x0  }
0x28d: {  	s8 =	rddreg [dreg:$0x7];
	[sflag:s0] =	ssyncadd.s32 $0xFFFE8000  }
0x28e: {  	[hbm4b:s8+s3] =	stream.linear.scatter [tilespmem:s16], [sflag:$0x2], $0x18000, $0x38;
	[tilespmem:$0x18400] =	vst v63  }
0x28f: {  	_ =	swait.ge [sflag:s4], $0x18000  }
0x290: {  	[sflag:s4] =	ssyncset.done $0x0  }
0x291: {  	[sflag:s4] =	ssyncadd.s32 $0xFFFE8000  }
0x292: {  	v3 =	vld [tilespmem:$0x200];
	_ =	sdelay $0x4  }
0x293: {  	v32 =	vshrl.u32 v3, $0x3  }
0x294: {  	v4 =	vmul.u32 $0x30, v32  }
0x295: {  	v3 =	vand.u32 $0x7, v3  }
0x296: {  	v3 =	vor.u32 v3, v4  }
0x297: {  	v4 =	vperm.xlane v3, v0;
	_ =	sdelay $0x1  }
0x298: {  	v4 =	vadd.s32 v1, v4;
	_ =	sdelay $0x3  }
0x299: {  	v3 =	vperm.xlane v3, v2  }
0x29a: {  	[tilespmem:s16], [sflag:$0x1] =	stream.indirect_vreg.gather [hbm4b:s1+s3], $0x80, v4, vm0, $0xb8;
	[tilespmem:$0x18400] =	vst v63  }
0x29b: {  	s25 =	simm.s32 $0xC00;
	v3 =	vadd.s32 v1, v3  }
0x29c: {  	[tilespmem:s25], [sflag:$0x1] =	stream.indirect_vreg.gather [hbm4b:s5+s3], $0x80, v4, vm0, $0xb8;
	[tilespmem:$0x18400] =	vst v63  }
0x29d: {  	s26 =	simm.s32 $0x1400  }
0x29e: {  	[tilespmem:s26], [sflag:$0x1] =	stream.indirect_vreg.gather [hbm4b:s6+s3], $0x80, v4, vm0, $0xb8;
	[tilespmem:$0x18400] =	vst v63  }
0x29f: {  	s28 =	simm.s32 $0x1C00  }
0x2a0: {  	[tilespmem:s28], [sflag:$0x1] =	stream.indirect_vreg.gather [hbm4b:s1+s3], $0x80, v3, vm0, $0xb8;
	[tilespmem:$0x18400] =	vst v63  }
0x2a1: {  	s29 =	simm.s32 $0x2400  }
0x2a2: {  	[tilespmem:s29], [sflag:$0x1] =	stream.indirect_vreg.gather [hbm4b:s5+s3], $0x80, v3, vm0, $0xb8;
	[tilespmem:$0x18400] =	vst v63  }
0x2a3: {  	s8 =	simm.s32 $0x2C00  }
0x2a4: {  	[tilespmem:s8], [sflag:$0x1] =	stream.indirect_vreg.gather [hbm4b:s6+s3], $0x80, v3, vm0, $0xb8;
	[tilespmem:$0x18400] =	vst v63  }
0x2a5: {  	v3 =	vld [tilespmem:$0x210];
	_ =	sdelay $0x4  }
0x2a6: {  	v33 =	vshrl.u32 v3, $0x3  }
0x2a7: {  	v4 =	vmul.u32 $0x30, v33  }
0x2a8: {  	v3 =	vand.u32 $0x7, v3  }
0x2a9: {  	v3 =	vor.u32 v3, v4  }
0x2aa: {  	v4 =	vperm.xlane v3, v0;
	_ =	sdelay $0x1  }
0x2ab: {  	v4 =	vadd.s32 v1, v4;
	_ =	sdelay $0x3  }
0x2ac: {  	s8 =	simm.s32 $0x3400;
	v3 =	vperm.xlane v3, v2  }
0x2ad: {  	[tilespmem:s8], [sflag:$0x1] =	stream.indirect_vreg.gather [hbm4b:s1+s3], $0x80, v4, vm0, $0xb8;
	[tilespmem:$0x18400] =	vst v63  }
0x2ae: {  	s30 =	simm.s32 $0x3C00;
	v3 =	vadd.s32 v1, v3  }
0x2af: {  	[tilespmem:s30], [sflag:$0x1] =	stream.indirect_vreg.gather [hbm4b:s5+s3], $0x80, v4, vm0, $0xb8;
	[tilespmem:$0x18400] =	vst v63  }
0x2b0: {  	s31 =	simm.s32 $0x4400  }
0x2b1: {  	[tilespmem:s31], [sflag:$0x1] =	stream.indirect_vreg.gather [hbm4b:s6+s3], $0x80, v4, vm0, $0xb8;
	[tilespmem:$0x18400] =	vst v63  }
0x2b2: {  	s2 =	simm.s32 $0x4C00  }
0x2b3: {  	[tilespmem:s2], [sflag:$0x1] =	stream.indirect_vreg.gather [hbm4b:s1+s3], $0x80, v3, vm0, $0xb8;
	[tilespmem:$0x18400] =	vst v63  }
0x2b4: {  	s7 =	simm.s32 $0x5400  }
0x2b5: {  	[tilespmem:s7], [sflag:$0x1] =	stream.indirect_vreg.gather [hbm4b:s5+s3], $0x80, v3, vm0, $0xb8;
	[tilespmem:$0x18400] =	vst v63  }
0x2b6: {  	s8 =	simm.s32 $0x5C00  }
0x2b7: {  	[tilespmem:s8], [sflag:$0x1] =	stream.indirect_vreg.gather [hbm4b:s6+s3], $0x80, v3, vm0, $0xb8;
	[tilespmem:$0x18400] =	vst v63  }
0x2b8: {  	v3 =	vld [tilespmem:$0x220];
	_ =	sdelay $0x4  }
0x2b9: {  	v34 =	vshrl.u32 v3, $0x3  }
0x2ba: {  	v4 =	vmul.u32 $0x30, v34  }
0x2bb: {  	v3 =	vand.u32 $0x7, v3  }
0x2bc: {  	v3 =	vor.u32 v3, v4  }
0x2bd: {  	v4 =	vperm.xlane v3, v0;
	_ =	sdelay $0x1  }
0x2be: {  	v4 =	vadd.s32 v1, v4;
	_ =	sdelay $0x3  }
0x2bf: {  	s8 =	simm.s32 $0x6400;
	v3 =	vperm.xlane v3, v2  }
0x2c0: {  	[tilespmem:s8], [sflag:$0x1] =	stream.indirect_vreg.gather [hbm4b:s1+s3], $0x80, v4, vm0, $0xb8;
	[tilespmem:$0x18400] =	vst v63  }
0x2c1: {  	s9 =	simm.s32 $0x6C00;
	v3 =	vadd.s32 v1, v3  }
0x2c2: {  	[tilespmem:s9], [sflag:$0x1] =	stream.indirect_vreg.gather [hbm4b:s5+s3], $0x80, v4, vm0, $0xb8;
	[tilespmem:$0x18400] =	vst v63  }
0x2c3: {  	s10 =	simm.s32 $0x7400  }
0x2c4: {  	[tilespmem:s10], [sflag:$0x1] =	stream.indirect_vreg.gather [hbm4b:s6+s3], $0x80, v4, vm0, $0xb8;
	[tilespmem:$0x18400] =	vst v63  }
0x2c5: {  	s11 =	simm.s32 $0x7C00  }
0x2c6: {  	[tilespmem:s11], [sflag:$0x1] =	stream.indirect_vreg.gather [hbm4b:s1+s3], $0x80, v3, vm0, $0xb8;
	[tilespmem:$0x18400] =	vst v63  }
0x2c7: {  	s12 =	simm.s32 $0x8400  }
0x2c8: {  	[tilespmem:s12], [sflag:$0x1] =	stream.indirect_vreg.gather [hbm4b:s5+s3], $0x80, v3, vm0, $0xb8;
	[tilespmem:$0x18400] =	vst v63  }
0x2c9: {  	s8 =	simm.s32 $0x8C00  }
0x2ca: {  	[tilespmem:s8], [sflag:$0x1] =	stream.indirect_vreg.gather [hbm4b:s6+s3], $0x80, v3, vm0, $0xb8;
	[tilespmem:$0x18400] =	vst v63  }
0x2cb: {  	v3 =	vld [tilespmem:$0x230];
	_ =	sdelay $0x4  }
0x2cc: {  	v35 =	vshrl.u32 v3, $0x3  }
0x2cd: {  	v4 =	vmul.u32 $0x30, v35  }
0x2ce: {  	v3 =	vand.u32 $0x7, v3  }
0x2cf: {  	v3 =	vor.u32 v3, v4  }
0x2d0: {  	v4 =	vperm.xlane v3, v0;
	_ =	sdelay $0x1  }
0x2d1: {  	v4 =	vadd.s32 v1, v4;
	_ =	sdelay $0x3  }
0x2d2: {  	s8 =	simm.s32 $0x9400;
	v3 =	vperm.xlane v3, v2  }
0x2d3: {  	[tilespmem:s8], [sflag:$0x1] =	stream.indirect_vreg.gather [hbm4b:s1+s3], $0x80, v4, vm0, $0xb8;
	[tilespmem:$0x18400] =	vst v63  }
0x2d4: {  	s13 =	simm.s32 $0x9C00;
	v3 =	vadd.s32 v1, v3  }
0x2d5: {  	[tilespmem:s13], [sflag:$0x1] =	stream.indirect_vreg.gather [hbm4b:s5+s3], $0x80, v4, vm0, $0xb8;
	[tilespmem:$0x18400] =	vst v63  }
0x2d6: {  	s14 =	simm.s32 $0xA400  }
0x2d7: {  	[tilespmem:s14], [sflag:$0x1] =	stream.indirect_vreg.gather [hbm4b:s6+s3], $0x80, v4, vm0, $0xb8;
	[tilespmem:$0x18400] =	vst v63  }
0x2d8: {  	s15 =	simm.s32 $0xAC00  }
0x2d9: {  	[tilespmem:s15], [sflag:$0x1] =	stream.indirect_vreg.gather [hbm4b:s1+s3], $0x80, v3, vm0, $0xb8;
	[tilespmem:$0x18400] =	vst v63  }
0x2da: {  	s8 =	simm.s32 $0xB400  }
0x2db: {  	[tilespmem:s8], [sflag:$0x1] =	stream.indirect_vreg.gather [hbm4b:s5+s3], $0x80, v3, vm0, $0xb8;
	[tilespmem:$0x18400] =	vst v63  }
0x2dc: {  	s8 =	simm.s32 $0xBC00  }
0x2dd: {  	[tilespmem:s8], [sflag:$0x1] =	stream.indirect_vreg.gather [hbm4b:s6+s3], $0x80, v3, vm0, $0xb8;
	[tilespmem:$0x18400] =	vst v63  }
0x2de: {  	v3 =	vld [tilespmem:$0x240];
	_ =	sdelay $0x4  }
0x2df: {  	v36 =	vshrl.u32 v3, $0x3  }
0x2e0: {  	v4 =	vmul.u32 $0x30, v36  }
0x2e1: {  	v3 =	vand.u32 $0x7, v3  }
0x2e2: {  	v3 =	vor.u32 v3, v4  }
0x2e3: {  	v4 =	vperm.xlane v3, v0;
	_ =	sdelay $0x1  }
0x2e4: {  	v4 =	vadd.s32 v1, v4;
	_ =	sdelay $0x3  }
0x2e5: {  	s8 =	simm.s32 $0xC400;
	v3 =	vperm.xlane v3, v2  }
0x2e6: {  	[tilespmem:s8], [sflag:$0x1] =	stream.indirect_vreg.gather [hbm4b:s1+s3], $0x80, v4, vm0, $0xb8;
	[tilespmem:$0x18400] =	vst v63  }
0x2e7: {  	s17 =	simm.s32 $0xCC00;
	v3 =	vadd.s32 v1, v3  }
0x2e8: {  	[tilespmem:s17], [sflag:$0x1] =	stream.indirect_vreg.gather [hbm4b:s5+s3], $0x80, v4, vm0, $0xb8;
	[tilespmem:$0x18400] =	vst v63  }
0x2e9: {  	s18 =	simm.s32 $0xD400  }
0x2ea: {  	[tilespmem:s18], [sflag:$0x1] =	stream.indirect_vreg.gather [hbm4b:s6+s3], $0x80, v4, vm0, $0xb8;
	[tilespmem:$0x18400] =	vst v63  }
0x2eb: {  	s8 =	simm.s32 $0xDC00  }
0x2ec: {  	[tilespmem:s8], [sflag:$0x1] =	stream.indirect_vreg.gather [hbm4b:s1+s3], $0x80, v3, vm0, $0xb8;
	[tilespmem:$0x18400] =	vst v63  }
0x2ed: {  	s8 =	simm.s32 $0xE400  }
0x2ee: {  	[tilespmem:s8], [sflag:$0x1] =	stream.indirect_vreg.gather [hbm4b:s5+s3], $0x80, v3, vm0, $0xb8;
	[tilespmem:$0x18400] =	vst v63  }
0x2ef: {  	s8 =	simm.s32 $0xEC00  }
0x2f0: {  	[tilespmem:s8], [sflag:$0x1] =	stream.indirect_vreg.gather [hbm4b:s6+s3], $0x80, v3, vm0, $0xb8;
	[tilespmem:$0x18400] =	vst v63  }
0x2f1: {  	v3 =	vld [tilespmem:$0x250];
	_ =	sdelay $0x4  }
0x2f2: {  	v37 =	vshrl.u32 v3, $0x3  }
0x2f3: {  	v4 =	vmul.u32 $0x30, v37  }
0x2f4: {  	v3 =	vand.u32 $0x7, v3  }
0x2f5: {  	v3 =	vor.u32 v3, v4  }
0x2f6: {  	v4 =	vperm.xlane v3, v0;
	_ =	sdelay $0x1  }
0x2f7: {  	v4 =	vadd.s32 v1, v4;
	_ =	sdelay $0x3  }
0x2f8: {  	s8 =	simm.s32 $0xF400;
	v3 =	vperm.xlane v3, v2  }
0x2f9: {  	[tilespmem:s8], [sflag:$0x1] =	stream.indirect_vreg.gather [hbm4b:s1+s3], $0x80, v4, vm0, $0xb8;
	[tilespmem:$0x18400] =	vst v63  }
0x2fa: {  	s19 =	simm.s32 $0xFC00;
	v3 =	vadd.s32 v1, v3  }
0x2fb: {  	[tilespmem:s19], [sflag:$0x1] =	stream.indirect_vreg.gather [hbm4b:s5+s3], $0x80, v4, vm0, $0xb8;
	[tilespmem:$0x18400] =	vst v63  }
0x2fc: {  	s20 =	simm.s32 $0x10400  }
0x2fd: {  	[tilespmem:s20], [sflag:$0x1] =	stream.indirect_vreg.gather [hbm4b:s6+s3], $0x80, v4, vm0, $0xb8;
	[tilespmem:$0x18400] =	vst v63  }
0x2fe: {  	s8 =	simm.s32 $0x10C00  }
0x2ff: {  	[tilespmem:s8], [sflag:$0x1] =	stream.indirect_vreg.gather [hbm4b:s1+s3], $0x80, v3, vm0, $0xb8;
	[tilespmem:$0x18400] =	vst v63  }
0x300: {  	s8 =	simm.s32 $0x11400  }
0x301: {  	[tilespmem:s8], [sflag:$0x1] =	stream.indirect_vreg.gather [hbm4b:s5+s3], $0x80, v3, vm0, $0xb8;
	[tilespmem:$0x18400] =	vst v63  }
0x302: {  	s8 =	simm.s32 $0x11C00  }
0x303: {  	[tilespmem:s8], [sflag:$0x1] =	stream.indirect_vreg.gather [hbm4b:s6+s3], $0x80, v3, vm0, $0xb8;
	[tilespmem:$0x18400] =	vst v63  }
0x304: {  	v3 =	vld [tilespmem:$0x260];
	_ =	sdelay $0x4  }
0x305: {  	v38 =	vshrl.u32 v3, $0x3  }
0x306: {  	v4 =	vmul.u32 $0x30, v38  }
0x307: {  	v3 =	vand.u32 $0x7, v3  }
0x308: {  	v3 =	vor.u32 v3, v4  }
0x309: {  	v4 =	vperm.xlane v3, v0;
	_ =	sdelay $0x1  }
0x30a: {  	v4 =	vadd.s32 v1, v4;
	_ =	sdelay $0x3  }
0x30b: {  	s8 =	simm.s32 $0x12400;
	v3 =	vperm.xlane v3, v2  }
0x30c: {  	[tilespmem:s8], [sflag:$0x1] =	stream.indirect_vreg.gather [hbm4b:s1+s3], $0x80, v4, vm0, $0xb8;
	[tilespmem:$0x18400] =	vst v63  }
0x30d: {  	s21 =	simm.s32 $0x12C00;
	v3 =	vadd.s32 v1, v3  }
0x30e: {  	[tilespmem:s21], [sflag:$0x1] =	stream.indirect_vreg.gather [hbm4b:s5+s3], $0x80, v4, vm0, $0xb8;
	[tilespmem:$0x18400] =	vst v63  }
0x30f: {  	s22 =	simm.s32 $0x13400  }
0x310: {  	[tilespmem:s22], [sflag:$0x1] =	stream.indirect_vreg.gather [hbm4b:s6+s3], $0x80, v4, vm0, $0xb8;
	[tilespmem:$0x18400] =	vst v63  }
0x311: {  	s8 =	simm.s32 $0x13C00  }
0x312: {  	[tilespmem:s8], [sflag:$0x1] =	stream.indirect_vreg.gather [hbm4b:s1+s3], $0x80, v3, vm0, $0xb8;
	[tilespmem:$0x18400] =	vst v63  }
0x313: {  	s8 =	simm.s32 $0x14400  }
0x314: {  	[tilespmem:s8], [sflag:$0x1] =	stream.indirect_vreg.gather [hbm4b:s5+s3], $0x80, v3, vm0, $0xb8;
	[tilespmem:$0x18400] =	vst v63  }
0x315: {  	s8 =	simm.s32 $0x14C00  }
0x316: {  	[tilespmem:s8], [sflag:$0x1] =	stream.indirect_vreg.gather [hbm4b:s6+s3], $0x80, v3, vm0, $0xb8;
	[tilespmem:$0x18400] =	vst v63  }
0x317: {  	v3 =	vld [tilespmem:$0x270];
	_ =	sdelay $0x4  }
0x318: {  	v39 =	vshrl.u32 v3, $0x3  }
0x319: {  	v4 =	vmul.u32 $0x30, v39  }
0x31a: {  	v3 =	vand.u32 $0x7, v3  }
0x31b: {  	v3 =	vor.u32 v3, v4  }
0x31c: {  	v4 =	vperm.xlane v3, v0;
	_ =	sdelay $0x1  }
0x31d: {  	v4 =	vadd.s32 v1, v4;
	_ =	sdelay $0x3  }
0x31e: {  	s8 =	simm.s32 $0x15400;
	v3 =	vperm.xlane v3, v2  }
0x31f: {  	[tilespmem:s8], [sflag:$0x1] =	stream.indirect_vreg.gather [hbm4b:s1+s3], $0x80, v4, vm0, $0xb8;
	[tilespmem:$0x18400] =	vst v63  }
0x320: {  	s23 =	simm.s32 $0x15C00;
	v3 =	vadd.s32 v1, v3  }
0x321: {  	[tilespmem:s23], [sflag:$0x1] =	stream.indirect_vreg.gather [hbm4b:s5+s3], $0x80, v4, vm0, $0xb8;
	[tilespmem:$0x18400] =	vst v63  }
0x322: {  	s24 =	simm.s32 $0x16400  }
0x323: {  	[tilespmem:s24], [sflag:$0x1] =	stream.indirect_vreg.gather [hbm4b:s6+s3], $0x80, v4, vm0, $0xb8;
	[tilespmem:$0x18400] =	vst v63  }
0x324: {  	s8 =	simm.s32 $0x16C00  }
0x325: {  	[tilespmem:s8], [sflag:$0x1] =	stream.indirect_vreg.gather [hbm4b:s1+s3], $0x80, v3, vm0, $0xb8;
	[tilespmem:$0x18400] =	vst v63  }
0x326: {  	s8 =	simm.s32 $0x17400  }
0x327: {  	[tilespmem:s8], [sflag:$0x1] =	stream.indirect_vreg.gather [hbm4b:s5+s3], $0x80, v3, vm0, $0xb8;
	[tilespmem:$0x18400] =	vst v63  }
0x328: {  	s8 =	simm.s32 $0x17C00  }
0x329: {  	[tilespmem:s8], [sflag:$0x1] =	stream.indirect_vreg.gather [hbm4b:s6+s3], $0x80, v3, vm0, $0xb8;
	[tilespmem:$0x18400] =	vst v63  }
0x32a: {  	_ =	swait.ge [sflag:s0], $0x18000  }
0x32b: {  	[sflag:s0] =	ssyncset.done $0x0  }
0x32c: {  	s8 =	rddreg [dreg:$0x8];
	[sflag:s0] =	ssyncadd.s32 $0xFFFE8000  }
0x32d: {  	[hbm4b:s8+s3] =	stream.linear.scatter [tilespmem:s16], [sflag:$0x2], $0x18000, $0x38;
	[tilespmem:$0x18400] =	vst v63  }
0x32e: {  	_ =	swait.ge [sflag:s4], $0x18000  }
0x32f: {  	[sflag:s4] =	ssyncset.done $0x0  }
0x330: {  	[sflag:s4] =	ssyncadd.s32 $0xFFFE8000  }
0x331: {  	v3 =	vld [tilespmem:$0x280];
	_ =	sdelay $0x4  }
0x332: {  	v40 =	vshrl.u32 v3, $0x3  }
0x333: {  	v4 =	vmul.u32 $0x30, v40  }
0x334: {  	v3 =	vand.u32 $0x7, v3  }
0x335: {  	v3 =	vor.u32 v3, v4  }
0x336: {  	v4 =	vperm.xlane v3, v0;
	_ =	sdelay $0x1  }
0x337: {  	v4 =	vadd.s32 v1, v4;
	_ =	sdelay $0x3  }
0x338: {  	v3 =	vperm.xlane v3, v2  }
0x339: {  	[tilespmem:s16], [sflag:$0x1] =	stream.indirect_vreg.gather [hbm4b:s1+s3], $0x80, v4, vm0, $0xb8;
	[tilespmem:$0x18400] =	vst v63  }
0x33a: {  	s25 =	simm.s32 $0xC00;
	v3 =	vadd.s32 v1, v3  }
0x33b: {  	[tilespmem:s25], [sflag:$0x1] =	stream.indirect_vreg.gather [hbm4b:s5+s3], $0x80, v4, vm0, $0xb8;
	[tilespmem:$0x18400] =	vst v63  }
0x33c: {  	s26 =	simm.s32 $0x1400  }
0x33d: {  	[tilespmem:s26], [sflag:$0x1] =	stream.indirect_vreg.gather [hbm4b:s6+s3], $0x80, v4, vm0, $0xb8;
	[tilespmem:$0x18400] =	vst v63  }
0x33e: {  	s28 =	simm.s32 $0x1C00  }
0x33f: {  	[tilespmem:s28], [sflag:$0x1] =	stream.indirect_vreg.gather [hbm4b:s1+s3], $0x80, v3, vm0, $0xb8;
	[tilespmem:$0x18400] =	vst v63  }
0x340: {  	s29 =	simm.s32 $0x2400  }
0x341: {  	[tilespmem:s29], [sflag:$0x1] =	stream.indirect_vreg.gather [hbm4b:s5+s3], $0x80, v3, vm0, $0xb8;
	[tilespmem:$0x18400] =	vst v63  }
0x342: {  	s8 =	simm.s32 $0x2C00  }
0x343: {  	[tilespmem:s8], [sflag:$0x1] =	stream.indirect_vreg.gather [hbm4b:s6+s3], $0x80, v3, vm0, $0xb8;
	[tilespmem:$0x18400] =	vst v63  }
0x344: {  	v3 =	vld [tilespmem:$0x290];
	_ =	sdelay $0x4  }
0x345: {  	v41 =	vshrl.u32 v3, $0x3  }
0x346: {  	v4 =	vmul.u32 $0x30, v41  }
0x347: {  	v3 =	vand.u32 $0x7, v3  }
0x348: {  	v3 =	vor.u32 v3, v4  }
0x349: {  	v4 =	vperm.xlane v3, v0;
	_ =	sdelay $0x1  }
0x34a: {  	v4 =	vadd.s32 v1, v4;
	_ =	sdelay $0x3  }
0x34b: {  	s8 =	simm.s32 $0x3400;
	v3 =	vperm.xlane v3, v2  }
0x34c: {  	[tilespmem:s8], [sflag:$0x1] =	stream.indirect_vreg.gather [hbm4b:s1+s3], $0x80, v4, vm0, $0xb8;
	[tilespmem:$0x18400] =	vst v63  }
0x34d: {  	s30 =	simm.s32 $0x3C00;
	v3 =	vadd.s32 v1, v3  }
0x34e: {  	[tilespmem:s30], [sflag:$0x1] =	stream.indirect_vreg.gather [hbm4b:s5+s3], $0x80, v4, vm0, $0xb8;
	[tilespmem:$0x18400] =	vst v63  }
0x34f: {  	s31 =	simm.s32 $0x4400  }
0x350: {  	[tilespmem:s31], [sflag:$0x1] =	stream.indirect_vreg.gather [hbm4b:s6+s3], $0x80, v4, vm0, $0xb8;
	[tilespmem:$0x18400] =	vst v63  }
0x351: {  	s2 =	simm.s32 $0x4C00  }
0x352: {  	[tilespmem:s2], [sflag:$0x1] =	stream.indirect_vreg.gather [hbm4b:s1+s3], $0x80, v3, vm0, $0xb8;
	[tilespmem:$0x18400] =	vst v63  }
0x353: {  	s7 =	simm.s32 $0x5400  }
0x354: {  	[tilespmem:s7], [sflag:$0x1] =	stream.indirect_vreg.gather [hbm4b:s5+s3], $0x80, v3, vm0, $0xb8;
	[tilespmem:$0x18400] =	vst v63  }
0x355: {  	s8 =	simm.s32 $0x5C00  }
0x356: {  	[tilespmem:s8], [sflag:$0x1] =	stream.indirect_vreg.gather [hbm4b:s6+s3], $0x80, v3, vm0, $0xb8;
	[tilespmem:$0x18400] =	vst v63  }
0x357: {  	v3 =	vld [tilespmem:$0x2A0];
	_ =	sdelay $0x4  }
0x358: {  	v42 =	vshrl.u32 v3, $0x3  }
0x359: {  	v4 =	vmul.u32 $0x30, v42  }
0x35a: {  	v3 =	vand.u32 $0x7, v3  }
0x35b: {  	v3 =	vor.u32 v3, v4  }
0x35c: {  	v4 =	vperm.xlane v3, v0;
	_ =	sdelay $0x1  }
0x35d: {  	v4 =	vadd.s32 v1, v4;
	_ =	sdelay $0x3  }
0x35e: {  	s8 =	simm.s32 $0x6400;
	v3 =	vperm.xlane v3, v2  }
0x35f: {  	[tilespmem:s8], [sflag:$0x1] =	stream.indirect_vreg.gather [hbm4b:s1+s3], $0x80, v4, vm0, $0xb8;
	[tilespmem:$0x18400] =	vst v63  }
0x360: {  	s9 =	simm.s32 $0x6C00;
	v3 =	vadd.s32 v1, v3  }
0x361: {  	[tilespmem:s9], [sflag:$0x1] =	stream.indirect_vreg.gather [hbm4b:s5+s3], $0x80, v4, vm0, $0xb8;
	[tilespmem:$0x18400] =	vst v63  }
0x362: {  	s10 =	simm.s32 $0x7400  }
0x363: {  	[tilespmem:s10], [sflag:$0x1] =	stream.indirect_vreg.gather [hbm4b:s6+s3], $0x80, v4, vm0, $0xb8;
	[tilespmem:$0x18400] =	vst v63  }
0x364: {  	s11 =	simm.s32 $0x7C00  }
0x365: {  	[tilespmem:s11], [sflag:$0x1] =	stream.indirect_vreg.gather [hbm4b:s1+s3], $0x80, v3, vm0, $0xb8;
	[tilespmem:$0x18400] =	vst v63  }
0x366: {  	s12 =	simm.s32 $0x8400  }
0x367: {  	[tilespmem:s12], [sflag:$0x1] =	stream.indirect_vreg.gather [hbm4b:s5+s3], $0x80, v3, vm0, $0xb8;
	[tilespmem:$0x18400] =	vst v63  }
0x368: {  	s8 =	simm.s32 $0x8C00  }
0x369: {  	[tilespmem:s8], [sflag:$0x1] =	stream.indirect_vreg.gather [hbm4b:s6+s3], $0x80, v3, vm0, $0xb8;
	[tilespmem:$0x18400] =	vst v63  }
0x36a: {  	v3 =	vld [tilespmem:$0x2B0];
	_ =	sdelay $0x4  }
0x36b: {  	v43 =	vshrl.u32 v3, $0x3  }
0x36c: {  	v4 =	vmul.u32 $0x30, v43  }
0x36d: {  	v3 =	vand.u32 $0x7, v3  }
0x36e: {  	v3 =	vor.u32 v3, v4  }
0x36f: {  	v4 =	vperm.xlane v3, v0;
	_ =	sdelay $0x1  }
0x370: {  	v4 =	vadd.s32 v1, v4;
	_ =	sdelay $0x3  }
0x371: {  	s8 =	simm.s32 $0x9400;
	v3 =	vperm.xlane v3, v2  }
0x372: {  	[tilespmem:s8], [sflag:$0x1] =	stream.indirect_vreg.gather [hbm4b:s1+s3], $0x80, v4, vm0, $0xb8;
	[tilespmem:$0x18400] =	vst v63  }
0x373: {  	s13 =	simm.s32 $0x9C00;
	v3 =	vadd.s32 v1, v3  }
0x374: {  	[tilespmem:s13], [sflag:$0x1] =	stream.indirect_vreg.gather [hbm4b:s5+s3], $0x80, v4, vm0, $0xb8;
	[tilespmem:$0x18400] =	vst v63  }
0x375: {  	s14 =	simm.s32 $0xA400  }
0x376: {  	[tilespmem:s14], [sflag:$0x1] =	stream.indirect_vreg.gather [hbm4b:s6+s3], $0x80, v4, vm0, $0xb8;
	[tilespmem:$0x18400] =	vst v63  }
0x377: {  	s15 =	simm.s32 $0xAC00  }
0x378: {  	[tilespmem:s15], [sflag:$0x1] =	stream.indirect_vreg.gather [hbm4b:s1+s3], $0x80, v3, vm0, $0xb8;
	[tilespmem:$0x18400] =	vst v63  }
0x379: {  	s8 =	simm.s32 $0xB400  }
0x37a: {  	[tilespmem:s8], [sflag:$0x1] =	stream.indirect_vreg.gather [hbm4b:s5+s3], $0x80, v3, vm0, $0xb8;
	[tilespmem:$0x18400] =	vst v63  }
0x37b: {  	s8 =	simm.s32 $0xBC00  }
0x37c: {  	[tilespmem:s8], [sflag:$0x1] =	stream.indirect_vreg.gather [hbm4b:s6+s3], $0x80, v3, vm0, $0xb8;
	[tilespmem:$0x18400] =	vst v63  }
0x37d: {  	v3 =	vld [tilespmem:$0x2C0];
	_ =	sdelay $0x4  }
0x37e: {  	v44 =	vshrl.u32 v3, $0x3  }
0x37f: {  	v4 =	vmul.u32 $0x30, v44  }
0x380: {  	v3 =	vand.u32 $0x7, v3  }
0x381: {  	v3 =	vor.u32 v3, v4  }
0x382: {  	v4 =	vperm.xlane v3, v0;
	_ =	sdelay $0x1  }
0x383: {  	v4 =	vadd.s32 v1, v4;
	_ =	sdelay $0x3  }
0x384: {  	s8 =	simm.s32 $0xC400;
	v3 =	vperm.xlane v3, v2  }
0x385: {  	[tilespmem:s8], [sflag:$0x1] =	stream.indirect_vreg.gather [hbm4b:s1+s3], $0x80, v4, vm0, $0xb8;
	[tilespmem:$0x18400] =	vst v63  }
0x386: {  	s17 =	simm.s32 $0xCC00;
	v3 =	vadd.s32 v1, v3  }
0x387: {  	[tilespmem:s17], [sflag:$0x1] =	stream.indirect_vreg.gather [hbm4b:s5+s3], $0x80, v4, vm0, $0xb8;
	[tilespmem:$0x18400] =	vst v63  }
0x388: {  	s18 =	simm.s32 $0xD400  }
0x389: {  	[tilespmem:s18], [sflag:$0x1] =	stream.indirect_vreg.gather [hbm4b:s6+s3], $0x80, v4, vm0, $0xb8;
	[tilespmem:$0x18400] =	vst v63  }
0x38a: {  	s8 =	simm.s32 $0xDC00  }
0x38b: {  	[tilespmem:s8], [sflag:$0x1] =	stream.indirect_vreg.gather [hbm4b:s1+s3], $0x80, v3, vm0, $0xb8;
	[tilespmem:$0x18400] =	vst v63  }
0x38c: {  	s8 =	simm.s32 $0xE400  }
0x38d: {  	[tilespmem:s8], [sflag:$0x1] =	stream.indirect_vreg.gather [hbm4b:s5+s3], $0x80, v3, vm0, $0xb8;
	[tilespmem:$0x18400] =	vst v63  }
0x38e: {  	s8 =	simm.s32 $0xEC00  }
0x38f: {  	[tilespmem:s8], [sflag:$0x1] =	stream.indirect_vreg.gather [hbm4b:s6+s3], $0x80, v3, vm0, $0xb8;
	[tilespmem:$0x18400] =	vst v63  }
0x390: {  	v3 =	vld [tilespmem:$0x2D0];
	_ =	sdelay $0x4  }
0x391: {  	v45 =	vshrl.u32 v3, $0x3  }
0x392: {  	v4 =	vmul.u32 $0x30, v45  }
0x393: {  	v3 =	vand.u32 $0x7, v3  }
0x394: {  	v3 =	vor.u32 v3, v4  }
0x395: {  	v4 =	vperm.xlane v3, v0;
	_ =	sdelay $0x1  }
0x396: {  	v4 =	vadd.s32 v1, v4;
	_ =	sdelay $0x3  }
0x397: {  	s8 =	simm.s32 $0xF400;
	v3 =	vperm.xlane v3, v2  }
0x398: {  	[tilespmem:s8], [sflag:$0x1] =	stream.indirect_vreg.gather [hbm4b:s1+s3], $0x80, v4, vm0, $0xb8;
	[tilespmem:$0x18400] =	vst v63  }
0x399: {  	s19 =	simm.s32 $0xFC00;
	v3 =	vadd.s32 v1, v3  }
0x39a: {  	[tilespmem:s19], [sflag:$0x1] =	stream.indirect_vreg.gather [hbm4b:s5+s3], $0x80, v4, vm0, $0xb8;
	[tilespmem:$0x18400] =	vst v63  }
0x39b: {  	s20 =	simm.s32 $0x10400  }
0x39c: {  	[tilespmem:s20], [sflag:$0x1] =	stream.indirect_vreg.gather [hbm4b:s6+s3], $0x80, v4, vm0, $0xb8;
	[tilespmem:$0x18400] =	vst v63  }
0x39d: {  	s20 =	simm.s32 $0x10C00  }
0x39e: {  	[tilespmem:s20], [sflag:$0x1] =	stream.indirect_vreg.gather [hbm4b:s1+s3], $0x80, v3, vm0, $0xb8;
	[tilespmem:$0x18400] =	vst v63  }
0x39f: {  	s8 =	simm.s32 $0x11400  }
0x3a0: {  	[tilespmem:s8], [sflag:$0x1] =	stream.indirect_vreg.gather [hbm4b:s5+s3], $0x80, v3, vm0, $0xb8;
	[tilespmem:$0x18400] =	vst v63  }
0x3a1: {  	s19 =	simm.s32 $0x11C00  }
0x3a2: {  	[tilespmem:s19], [sflag:$0x1] =	stream.indirect_vreg.gather [hbm4b:s6+s3], $0x80, v3, vm0, $0xb8;
	[tilespmem:$0x18400] =	vst v63  }
0x3a3: {  	v3 =	vld [tilespmem:$0x2E0];
	_ =	sdelay $0x4  }
0x3a4: {  	v46 =	vshrl.u32 v3, $0x3  }
0x3a5: {  	v4 =	vmul.u32 $0x30, v46  }
0x3a6: {  	v3 =	vand.u32 $0x7, v3  }
0x3a7: {  	v3 =	vor.u32 v3, v4  }
0x3a8: {  	v4 =	vperm.xlane v3, v0;
	_ =	sdelay $0x1  }
0x3a9: {  	v4 =	vadd.s32 v1, v4;
	_ =	sdelay $0x3  }
0x3aa: {  	s20 =	simm.s32 $0x12400;
	v3 =	vperm.xlane v3, v2  }
0x3ab: {  	[tilespmem:s20], [sflag:$0x1] =	stream.indirect_vreg.gather [hbm4b:s1+s3], $0x80, v4, vm0, $0xb8;
	[tilespmem:$0x18400] =	vst v63  }
0x3ac: {  	s21 =	simm.s32 $0x12C00;
	v3 =	vadd.s32 v1, v3  }
0x3ad: {  	[tilespmem:s21], [sflag:$0x1] =	stream.indirect_vreg.gather [hbm4b:s5+s3], $0x80, v4, vm0, $0xb8;
	[tilespmem:$0x18400] =	vst v63  }
0x3ae: {  	s22 =	simm.s32 $0x13400  }
0x3af: {  	[tilespmem:s22], [sflag:$0x1] =	stream.indirect_vreg.gather [hbm4b:s6+s3], $0x80, v4, vm0, $0xb8;
	[tilespmem:$0x18400] =	vst v63  }
0x3b0: {  	s21 =	simm.s32 $0x13C00  }
0x3b1: {  	[tilespmem:s21], [sflag:$0x1] =	stream.indirect_vreg.gather [hbm4b:s1+s3], $0x80, v3, vm0, $0xb8;
	[tilespmem:$0x18400] =	vst v63  }
0x3b2: {  	s22 =	simm.s32 $0x14400  }
0x3b3: {  	[tilespmem:s22], [sflag:$0x1] =	stream.indirect_vreg.gather [hbm4b:s5+s3], $0x80, v3, vm0, $0xb8;
	[tilespmem:$0x18400] =	vst v63  }
0x3b4: {  	s8 =	simm.s32 $0x14C00  }
0x3b5: {  	[tilespmem:s8], [sflag:$0x1] =	stream.indirect_vreg.gather [hbm4b:s6+s3], $0x80, v3, vm0, $0xb8;
	[tilespmem:$0x18400] =	vst v63  }
0x3b6: {  	v3 =	vld [tilespmem:$0x2F0];
	_ =	sdelay $0x4  }
0x3b7: {  	v47 =	vshrl.u32 v3, $0x3  }
0x3b8: {  	v4 =	vmul.u32 $0x30, v47  }
0x3b9: {  	v3 =	vand.u32 $0x7, v3  }
0x3ba: {  	v3 =	vor.u32 v3, v4  }
0x3bb: {  	v4 =	vperm.xlane v3, v0;
	_ =	sdelay $0x1  }
0x3bc: {  	v4 =	vadd.s32 v1, v4;
	_ =	sdelay $0x3  }
0x3bd: {  	s19 =	simm.s32 $0x15400;
	v3 =	vperm.xlane v3, v2  }
0x3be: {  	[tilespmem:s19], [sflag:$0x1] =	stream.indirect_vreg.gather [hbm4b:s1+s3], $0x80, v4, vm0, $0xb8;
	[tilespmem:$0x18400] =	vst v63  }
0x3bf: {  	s23 =	simm.s32 $0x15C00;
	v3 =	vadd.s32 v1, v3  }
0x3c0: {  	[tilespmem:s23], [sflag:$0x1] =	stream.indirect_vreg.gather [hbm4b:s5+s3], $0x80, v4, vm0, $0xb8;
	[tilespmem:$0x18400] =	vst v63  }
0x3c1: {  	s24 =	simm.s32 $0x16400  }
0x3c2: {  	[tilespmem:s24], [sflag:$0x1] =	stream.indirect_vreg.gather [hbm4b:s6+s3], $0x80, v4, vm0, $0xb8;
	[tilespmem:$0x18400] =	vst v63  }
0x3c3: {  	s20 =	simm.s32 $0x16C00  }
0x3c4: {  	[tilespmem:s20], [sflag:$0x1] =	stream.indirect_vreg.gather [hbm4b:s1+s3], $0x80, v3, vm0, $0xb8;
	[tilespmem:$0x18400] =	vst v63  }
0x3c5: {  	s21 =	simm.s32 $0x17400  }
0x3c6: {  	[tilespmem:s21], [sflag:$0x1] =	stream.indirect_vreg.gather [hbm4b:s5+s3], $0x80, v3, vm0, $0xb8;
	[tilespmem:$0x18400] =	vst v63  }
0x3c7: {  	s22 =	simm.s32 $0x17C00  }
0x3c8: {  	[tilespmem:s22], [sflag:$0x1] =	stream.indirect_vreg.gather [hbm4b:s6+s3], $0x80, v3, vm0, $0xb8;
	[tilespmem:$0x18400] =	vst v63  }
0x3c9: {  	_ =	swait.ge [sflag:s0], $0x18000  }
0x3ca: {  	[sflag:s0] =	ssyncset.done $0x0  }
0x3cb: {  	s23 =	rddreg [dreg:$0x9];
	[sflag:s0] =	ssyncadd.s32 $0xFFFE8000  }
0x3cc: {  	[hbm4b:s23+s3] =	stream.linear.scatter [tilespmem:s16], [sflag:$0x2], $0x18000, $0x38;
	[tilespmem:$0x18400] =	vst v63  }
0x3cd: {  	_ =	swait.ge [sflag:s4], $0x18000  }
0x3ce: {  	[sflag:s4] =	ssyncset.done $0x0  }
0x3cf: {  	[sflag:s4] =	ssyncadd.s32 $0xFFFE8000  }
0x3d0: {  	v3 =	vld [tilespmem:$0x300];
	_ =	sdelay $0x4  }
0x3d1: {  	v48 =	vshrl.u32 v3, $0x3  }
0x3d2: {  	v4 =	vmul.u32 $0x30, v48  }
0x3d3: {  	v3 =	vand.u32 $0x7, v3  }
0x3d4: {  	v3 =	vor.u32 v3, v4  }
0x3d5: {  	v4 =	vperm.xlane v3, v0;
	_ =	sdelay $0x1  }
0x3d6: {  	v4 =	vadd.s32 v1, v4;
	_ =	sdelay $0x3  }
0x3d7: {  	v3 =	vperm.xlane v3, v2  }
0x3d8: {  	[tilespmem:s16], [sflag:$0x1] =	stream.indirect_vreg.gather [hbm4b:s1+s3], $0x80, v4, vm0, $0xb8;
	[tilespmem:$0x18400] =	vst v63  }
0x3d9: {  	s25 =	simm.s32 $0xC00;
	v3 =	vadd.s32 v1, v3  }
0x3da: {  	[tilespmem:s25], [sflag:$0x1] =	stream.indirect_vreg.gather [hbm4b:s5+s3], $0x80, v4, vm0, $0xb8;
	[tilespmem:$0x18400] =	vst v63  }
0x3db: {  	s26 =	simm.s32 $0x1400  }
0x3dc: {  	[tilespmem:s26], [sflag:$0x1] =	stream.indirect_vreg.gather [hbm4b:s6+s3], $0x80, v4, vm0, $0xb8;
	[tilespmem:$0x18400] =	vst v63  }
0x3dd: {  	s28 =	simm.s32 $0x1C00  }
0x3de: {  	[tilespmem:s28], [sflag:$0x1] =	stream.indirect_vreg.gather [hbm4b:s1+s3], $0x80, v3, vm0, $0xb8;
	[tilespmem:$0x18400] =	vst v63  }
0x3df: {  	s29 =	simm.s32 $0x2400  }
0x3e0: {  	[tilespmem:s29], [sflag:$0x1] =	stream.indirect_vreg.gather [hbm4b:s5+s3], $0x80, v3, vm0, $0xb8;
	[tilespmem:$0x18400] =	vst v63  }
0x3e1: {  	s24 =	simm.s32 $0x2C00  }
0x3e2: {  	[tilespmem:s24], [sflag:$0x1] =	stream.indirect_vreg.gather [hbm4b:s6+s3], $0x80, v3, vm0, $0xb8;
	[tilespmem:$0x18400] =	vst v63  }
0x3e3: {  	v3 =	vld [tilespmem:$0x310];
	_ =	sdelay $0x4  }
0x3e4: {  	v49 =	vshrl.u32 v3, $0x3  }
0x3e5: {  	v4 =	vmul.u32 $0x30, v49  }
0x3e6: {  	v3 =	vand.u32 $0x7, v3  }
0x3e7: {  	v3 =	vor.u32 v3, v4  }
0x3e8: {  	v4 =	vperm.xlane v3, v0;
	_ =	sdelay $0x1  }
0x3e9: {  	v4 =	vadd.s32 v1, v4;
	_ =	sdelay $0x3  }
0x3ea: {  	s29 =	simm.s32 $0x3400;
	v3 =	vperm.xlane v3, v2  }
0x3eb: {  	[tilespmem:s29], [sflag:$0x1] =	stream.indirect_vreg.gather [hbm4b:s1+s3], $0x80, v4, vm0, $0xb8;
	[tilespmem:$0x18400] =	vst v63  }
0x3ec: {  	s30 =	simm.s32 $0x3C00;
	v3 =	vadd.s32 v1, v3  }
0x3ed: {  	[tilespmem:s30], [sflag:$0x1] =	stream.indirect_vreg.gather [hbm4b:s5+s3], $0x80, v4, vm0, $0xb8;
	[tilespmem:$0x18400] =	vst v63  }
0x3ee: {  	s31 =	simm.s32 $0x4400  }
0x3ef: {  	[tilespmem:s31], [sflag:$0x1] =	stream.indirect_vreg.gather [hbm4b:s6+s3], $0x80, v4, vm0, $0xb8;
	[tilespmem:$0x18400] =	vst v63  }
0x3f0: {  	s19 =	simm.s32 $0x4C00  }
0x3f1: {  	[tilespmem:s19], [sflag:$0x1] =	stream.indirect_vreg.gather [hbm4b:s1+s3], $0x80, v3, vm0, $0xb8;
	[tilespmem:$0x18400] =	vst v63  }
0x3f2: {  	s7 =	simm.s32 $0x5400  }
0x3f3: {  	[tilespmem:s7], [sflag:$0x1] =	stream.indirect_vreg.gather [hbm4b:s5+s3], $0x80, v3, vm0, $0xb8;
	[tilespmem:$0x18400] =	vst v63  }
0x3f4: {  	s20 =	simm.s32 $0x5C00  }
0x3f5: {  	[tilespmem:s20], [sflag:$0x1] =	stream.indirect_vreg.gather [hbm4b:s6+s3], $0x80, v3, vm0, $0xb8;
	[tilespmem:$0x18400] =	vst v63  }
0x3f6: {  	v3 =	vld [tilespmem:$0x320];
	_ =	sdelay $0x4  }
0x3f7: {  	v50 =	vshrl.u32 v3, $0x3  }
0x3f8: {  	v4 =	vmul.u32 $0x30, v50  }
0x3f9: {  	v3 =	vand.u32 $0x7, v3  }
0x3fa: {  	v3 =	vor.u32 v3, v4  }
0x3fb: {  	v4 =	vperm.xlane v3, v0;
	_ =	sdelay $0x1  }
0x3fc: {  	v4 =	vadd.s32 v1, v4;
	_ =	sdelay $0x3  }
0x3fd: {  	s21 =	simm.s32 $0x6400;
	v3 =	vperm.xlane v3, v2  }
0x3fe: {  	[tilespmem:s21], [sflag:$0x1] =	stream.indirect_vreg.gather [hbm4b:s1+s3], $0x80, v4, vm0, $0xb8;
	[tilespmem:$0x18400] =	vst v63  }
0x3ff: {  	s9 =	simm.s32 $0x6C00;
	v3 =	vadd.s32 v1, v3  }
0x400: {  	[tilespmem:s9], [sflag:$0x1] =	stream.indirect_vreg.gather [hbm4b:s5+s3], $0x80, v4, vm0, $0xb8;
	[tilespmem:$0x18400] =	vst v63  }
0x401: {  	s10 =	simm.s32 $0x7400  }
0x402: {  	[tilespmem:s10], [sflag:$0x1] =	stream.indirect_vreg.gather [hbm4b:s6+s3], $0x80, v4, vm0, $0xb8;
	[tilespmem:$0x18400] =	vst v63  }
0x403: {  	s11 =	simm.s32 $0x7C00  }
0x404: {  	[tilespmem:s11], [sflag:$0x1] =	stream.indirect_vreg.gather [hbm4b:s1+s3], $0x80, v3, vm0, $0xb8;
	[tilespmem:$0x18400] =	vst v63  }
0x405: {  	s12 =	simm.s32 $0x8400  }
0x406: {  	[tilespmem:s12], [sflag:$0x1] =	stream.indirect_vreg.gather [hbm4b:s5+s3], $0x80, v3, vm0, $0xb8;
	[tilespmem:$0x18400] =	vst v63  }
0x407: {  	s22 =	simm.s32 $0x8C00  }
0x408: {  	[tilespmem:s22], [sflag:$0x1] =	stream.indirect_vreg.gather [hbm4b:s6+s3], $0x80, v3, vm0, $0xb8;
	[tilespmem:$0x18400] =	vst v63  }
0x409: {  	v3 =	vld [tilespmem:$0x330];
	_ =	sdelay $0x4  }
0x40a: {  	v51 =	vshrl.u32 v3, $0x3  }
0x40b: {  	v4 =	vmul.u32 $0x30, v51  }
0x40c: {  	v3 =	vand.u32 $0x7, v3  }
0x40d: {  	v3 =	vor.u32 v3, v4  }
0x40e: {  	v4 =	vperm.xlane v3, v0;
	_ =	sdelay $0x1  }
0x40f: {  	v4 =	vadd.s32 v1, v4;
	_ =	sdelay $0x3  }
0x410: {  	s23 =	simm.s32 $0x9400;
	v3 =	vperm.xlane v3, v2  }
0x411: {  	[tilespmem:s23], [sflag:$0x1] =	stream.indirect_vreg.gather [hbm4b:s1+s3], $0x80, v4, vm0, $0xb8;
	[tilespmem:$0x18400] =	vst v63  }
0x412: {  	s13 =	simm.s32 $0x9C00;
	v3 =	vadd.s32 v1, v3  }
0x413: {  	[tilespmem:s13], [sflag:$0x1] =	stream.indirect_vreg.gather [hbm4b:s5+s3], $0x80, v4, vm0, $0xb8;
	[tilespmem:$0x18400] =	vst v63  }
0x414: {  	s14 =	simm.s32 $0xA400  }
0x415: {  	[tilespmem:s14], [sflag:$0x1] =	stream.indirect_vreg.gather [hbm4b:s6+s3], $0x80, v4, vm0, $0xb8;
	[tilespmem:$0x18400] =	vst v63  }
0x416: {  	s15 =	simm.s32 $0xAC00  }
0x417: {  	[tilespmem:s15], [sflag:$0x1] =	stream.indirect_vreg.gather [hbm4b:s1+s3], $0x80, v3, vm0, $0xb8;
	[tilespmem:$0x18400] =	vst v63  }
0x418: {  	s24 =	simm.s32 $0xB400  }
0x419: {  	[tilespmem:s24], [sflag:$0x1] =	stream.indirect_vreg.gather [hbm4b:s5+s3], $0x80, v3, vm0, $0xb8;
	[tilespmem:$0x18400] =	vst v63  }
0x41a: {  	s19 =	simm.s32 $0xBC00  }
0x41b: {  	[tilespmem:s19], [sflag:$0x1] =	stream.indirect_vreg.gather [hbm4b:s6+s3], $0x80, v3, vm0, $0xb8;
	[tilespmem:$0x18400] =	vst v63  }
0x41c: {  	v3 =	vld [tilespmem:$0x340];
	_ =	sdelay $0x4  }
0x41d: {  	v52 =	vshrl.u32 v3, $0x3  }
0x41e: {  	v4 =	vmul.u32 $0x30, v52  }
0x41f: {  	v3 =	vand.u32 $0x7, v3  }
0x420: {  	v3 =	vor.u32 v3, v4  }
0x421: {  	v4 =	vperm.xlane v3, v0;
	_ =	sdelay $0x1  }
0x422: {  	v4 =	vadd.s32 v1, v4;
	_ =	sdelay $0x3  }
0x423: {  	s20 =	simm.s32 $0xC400;
	v3 =	vperm.xlane v3, v2  }
0x424: {  	[tilespmem:s20], [sflag:$0x1] =	stream.indirect_vreg.gather [hbm4b:s1+s3], $0x80, v4, vm0, $0xb8;
	[tilespmem:$0x18400] =	vst v63  }
0x425: {  	s17 =	simm.s32 $0xCC00;
	v3 =	vadd.s32 v1, v3  }
0x426: {  	[tilespmem:s17], [sflag:$0x1] =	stream.indirect_vreg.gather [hbm4b:s5+s3], $0x80, v4, vm0, $0xb8;
	[tilespmem:$0x18400] =	vst v63  }
0x427: {  	s18 =	simm.s32 $0xD400  }
0x428: {  	[tilespmem:s18], [sflag:$0x1] =	stream.indirect_vreg.gather [hbm4b:s6+s3], $0x80, v4, vm0, $0xb8;
	[tilespmem:$0x18400] =	vst v63  }
0x429: {  	s21 =	simm.s32 $0xDC00  }
0x42a: {  	[tilespmem:s21], [sflag:$0x1] =	stream.indirect_vreg.gather [hbm4b:s1+s3], $0x80, v3, vm0, $0xb8;
	[tilespmem:$0x18400] =	vst v63  }
0x42b: {  	s22 =	simm.s32 $0xE400  }
0x42c: {  	[tilespmem:s22], [sflag:$0x1] =	stream.indirect_vreg.gather [hbm4b:s5+s3], $0x80, v3, vm0, $0xb8;
	[tilespmem:$0x18400] =	vst v63  }
0x42d: {  	s23 =	simm.s32 $0xEC00  }
0x42e: {  	[tilespmem:s23], [sflag:$0x1] =	stream.indirect_vreg.gather [hbm4b:s6+s3], $0x80, v3, vm0, $0xb8;
	[tilespmem:$0x18400] =	vst v63  }
0x42f: {  	v3 =	vld [tilespmem:$0x350];
	_ =	sdelay $0x4  }
0x430: {  	v53 =	vshrl.u32 v3, $0x3  }
0x431: {  	v4 =	vmul.u32 $0x30, v53  }
0x432: {  	v3 =	vand.u32 $0x7, v3  }
0x433: {  	v3 =	vor.u32 v3, v4  }
0x434: {  	v4 =	vperm.xlane v3, v0;
	_ =	sdelay $0x1  }
0x435: {  	v4 =	vadd.s32 v1, v4;
	_ =	sdelay $0x3  }
0x436: {  	s24 =	simm.s32 $0xF400;
	v3 =	vperm.xlane v3, v2  }
0x437: {  	[tilespmem:s24], [sflag:$0x1] =	stream.indirect_vreg.gather [hbm4b:s1+s3], $0x80, v4, vm0, $0xb8;
	[tilespmem:$0x18400] =	vst v63  }
0x438: {  	s21 =	simm.s32 $0xFC00;
	v3 =	vadd.s32 v1, v3  }
0x439: {  	[tilespmem:s21], [sflag:$0x1] =	stream.indirect_vreg.gather [hbm4b:s5+s3], $0x80, v4, vm0, $0xb8;
	[tilespmem:$0x18400] =	vst v63  }
0x43a: {  	s22 =	simm.s32 $0x10400  }
0x43b: {  	[tilespmem:s22], [sflag:$0x1] =	stream.indirect_vreg.gather [hbm4b:s6+s3], $0x80, v4, vm0, $0xb8;
	[tilespmem:$0x18400] =	vst v63  }
0x43c: {  	s23 =	simm.s32 $0x10C00  }
0x43d: {  	[tilespmem:s23], [sflag:$0x1] =	stream.indirect_vreg.gather [hbm4b:s1+s3], $0x80, v3, vm0, $0xb8;
	[tilespmem:$0x18400] =	vst v63  }
0x43e: {  	s24 =	simm.s32 $0x11400  }
0x43f: {  	[tilespmem:s24], [sflag:$0x1] =	stream.indirect_vreg.gather [hbm4b:s5+s3], $0x80, v3, vm0, $0xb8;
	[tilespmem:$0x18400] =	vst v63  }
0x440: {  	s8 =	simm.s32 $0x11C00  }
0x441: {  	[tilespmem:s8], [sflag:$0x1] =	stream.indirect_vreg.gather [hbm4b:s6+s3], $0x80, v3, vm0, $0xb8;
	[tilespmem:$0x18400] =	vst v63  }
0x442: {  	v3 =	vld [tilespmem:$0x360];
	_ =	sdelay $0x4  }
0x443: {  	v54 =	vshrl.u32 v3, $0x3  }
0x444: {  	v4 =	vmul.u32 $0x30, v54  }
0x445: {  	v3 =	vand.u32 $0x7, v3  }
0x446: {  	v3 =	vor.u32 v3, v4  }
0x447: {  	v4 =	vperm.xlane v3, v0;
	_ =	sdelay $0x1  }
0x448: {  	v4 =	vadd.s32 v1, v4;
	_ =	sdelay $0x3  }
0x449: {  	s8 =	simm.s32 $0x12400;
	v3 =	vperm.xlane v3, v2  }
0x44a: {  	[tilespmem:s8], [sflag:$0x1] =	stream.indirect_vreg.gather [hbm4b:s1+s3], $0x80, v4, vm0, $0xb8;
	[tilespmem:$0x18400] =	vst v63  }
0x44b: {  	v3 =	vadd.s32 v1, v3;
	s8 =	simm.s32 $0x12C00  }
0x44c: {  	[tilespmem:s8], [sflag:$0x1] =	stream.indirect_vreg.gather [hbm4b:s5+s3], $0x80, v4, vm0, $0xb8;
	[tilespmem:$0x18400] =	vst v63  }
0x44d: {  	s8 =	simm.s32 $0x13400  }
0x44e: {  	[tilespmem:s8], [sflag:$0x1] =	stream.indirect_vreg.gather [hbm4b:s6+s3], $0x80, v4, vm0, $0xb8;
	[tilespmem:$0x18400] =	vst v63  }
0x44f: {  	s8 =	simm.s32 $0x13C00  }
0x450: {  	[tilespmem:s8], [sflag:$0x1] =	stream.indirect_vreg.gather [hbm4b:s1+s3], $0x80, v3, vm0, $0xb8;
	[tilespmem:$0x18400] =	vst v63  }
0x451: {  	s8 =	simm.s32 $0x14400  }
0x452: {  	[tilespmem:s8], [sflag:$0x1] =	stream.indirect_vreg.gather [hbm4b:s5+s3], $0x80, v3, vm0, $0xb8;
	[tilespmem:$0x18400] =	vst v63  }
0x453: {  	s8 =	simm.s32 $0x14C00  }
0x454: {  	[tilespmem:s8], [sflag:$0x1] =	stream.indirect_vreg.gather [hbm4b:s6+s3], $0x80, v3, vm0, $0xb8;
	[tilespmem:$0x18400] =	vst v63  }
0x455: {  	v3 =	vld [tilespmem:$0x370];
	_ =	sdelay $0x4  }
0x456: {  	v55 =	vshrl.u32 v3, $0x3  }
0x457: {  	v4 =	vmul.u32 $0x30, v55  }
0x458: {  	v3 =	vand.u32 $0x7, v3  }
0x459: {  	v3 =	vor.u32 v3, v4  }
0x45a: {  	v4 =	vperm.xlane v3, v0;
	_ =	sdelay $0x1  }
0x45b: {  	v4 =	vadd.s32 v1, v4;
	_ =	sdelay $0x3  }
0x45c: {  	s8 =	simm.s32 $0x15400;
	v3 =	vperm.xlane v3, v2  }
0x45d: {  	[tilespmem:s8], [sflag:$0x1] =	stream.indirect_vreg.gather [hbm4b:s1+s3], $0x80, v4, vm0, $0xb8;
	[tilespmem:$0x18400] =	vst v63  }
0x45e: {  	v3 =	vadd.s32 v1, v3;
	s8 =	simm.s32 $0x15C00  }
0x45f: {  	[tilespmem:s8], [sflag:$0x1] =	stream.indirect_vreg.gather [hbm4b:s5+s3], $0x80, v4, vm0, $0xb8;
	[tilespmem:$0x18400] =	vst v63  }
0x460: {  	s8 =	simm.s32 $0x16400  }
0x461: {  	[tilespmem:s8], [sflag:$0x1] =	stream.indirect_vreg.gather [hbm4b:s6+s3], $0x80, v4, vm0, $0xb8;
	[tilespmem:$0x18400] =	vst v63  }
0x462: {  	s8 =	simm.s32 $0x16C00  }
0x463: {  	[tilespmem:s8], [sflag:$0x1] =	stream.indirect_vreg.gather [hbm4b:s1+s3], $0x80, v3, vm0, $0xb8;
	[tilespmem:$0x18400] =	vst v63  }
0x464: {  	s8 =	simm.s32 $0x17400  }
0x465: {  	[tilespmem:s8], [sflag:$0x1] =	stream.indirect_vreg.gather [hbm4b:s5+s3], $0x80, v3, vm0, $0xb8;
	[tilespmem:$0x18400] =	vst v63  }
0x466: {  	s8 =	simm.s32 $0x17C00  }
0x467: {  	[tilespmem:s8], [sflag:$0x1] =	stream.indirect_vreg.gather [hbm4b:s6+s3], $0x80, v3, vm0, $0xb8;
	[tilespmem:$0x18400] =	vst v63  }
0x468: {  	_ =	swait.ge [sflag:s0], $0x18000  }
0x469: {  	[sflag:s0] =	ssyncset.done $0x0  }
0x46a: {  	s8 =	rddreg [dreg:$0xa];
	[sflag:s0] =	ssyncadd.s32 $0xFFFE8000  }
0x46b: {  	[hbm4b:s8+s3] =	stream.linear.scatter [tilespmem:s16], [sflag:$0x2], $0x18000, $0x38;
	[tilespmem:$0x18400] =	vst v63  }
0x46c: {  	_ =	swait.ge [sflag:s4], $0x18000  }
0x46d: {  	[sflag:s4] =	ssyncset.done $0x0  }
0x46e: {  	[sflag:s4] =	ssyncadd.s32 $0xFFFE8000  }
0x46f: {  	v3 =	vld [tilespmem:$0x380];
	_ =	sdelay $0x4  }
0x470: {  	v56 =	vshrl.u32 v3, $0x3  }
0x471: {  	v4 =	vmul.u32 $0x30, v56  }
0x472: {  	v3 =	vand.u32 $0x7, v3  }
0x473: {  	v3 =	vor.u32 v3, v4  }
0x474: {  	v4 =	vperm.xlane v3, v0;
	_ =	sdelay $0x1  }
0x475: {  	v4 =	vadd.s32 v1, v4;
	_ =	sdelay $0x3  }
0x476: {  	v3 =	vperm.xlane v3, v2  }
0x477: {  	[tilespmem:s16], [sflag:$0x1] =	stream.indirect_vreg.gather [hbm4b:s1+s3], $0x80, v4, vm0, $0xb8;
	[tilespmem:$0x18400] =	vst v63  }
0x478: {  	s2 =	simm.s32 $0xC00;
	v3 =	vadd.s32 v1, v3  }
0x479: {  	[tilespmem:s2], [sflag:$0x1] =	stream.indirect_vreg.gather [hbm4b:s5+s3], $0x80, v4, vm0, $0xb8;
	[tilespmem:$0x18400] =	vst v63  }
0x47a: {  	s25 =	simm.s32 $0x1400  }
0x47b: {  	[tilespmem:s25], [sflag:$0x1] =	stream.indirect_vreg.gather [hbm4b:s6+s3], $0x80, v4, vm0, $0xb8;
	[tilespmem:$0x18400] =	vst v63  }
0x47c: {  	s26 =	simm.s32 $0x1C00  }
0x47d: {  	[tilespmem:s26], [sflag:$0x1] =	stream.indirect_vreg.gather [hbm4b:s1+s3], $0x80, v3, vm0, $0xb8;
	[tilespmem:$0x18400] =	vst v63  }
0x47e: {  	s28 =	simm.s32 $0x2400  }
0x47f: {  	[tilespmem:s28], [sflag:$0x1] =	stream.indirect_vreg.gather [hbm4b:s5+s3], $0x80, v3, vm0, $0xb8;
	[tilespmem:$0x18400] =	vst v63  }
0x480: {  	s26 =	simm.s32 $0x2C00  }
0x481: {  	[tilespmem:s26], [sflag:$0x1] =	stream.indirect_vreg.gather [hbm4b:s6+s3], $0x80, v3, vm0, $0xb8;
	[tilespmem:$0x18400] =	vst v63  }
0x482: {  	v3 =	vld [tilespmem:$0x390];
	_ =	sdelay $0x4  }
0x483: {  	v57 =	vshrl.u32 v3, $0x3  }
0x484: {  	v4 =	vmul.u32 $0x30, v57  }
0x485: {  	v3 =	vand.u32 $0x7, v3  }
0x486: {  	v3 =	vor.u32 v3, v4  }
0x487: {  	v4 =	vperm.xlane v3, v0;
	_ =	sdelay $0x1  }
0x488: {  	v4 =	vadd.s32 v1, v4;
	_ =	sdelay $0x3  }
0x489: {  	s28 =	simm.s32 $0x3400;
	v3 =	vperm.xlane v3, v2  }
0x48a: {  	[tilespmem:s28], [sflag:$0x1] =	stream.indirect_vreg.gather [hbm4b:s1+s3], $0x80, v4, vm0, $0xb8;
	[tilespmem:$0x18400] =	vst v63  }
0x48b: {  	s29 =	simm.s32 $0x3C00;
	v3 =	vadd.s32 v1, v3  }
0x48c: {  	[tilespmem:s29], [sflag:$0x1] =	stream.indirect_vreg.gather [hbm4b:s5+s3], $0x80, v4, vm0, $0xb8;
	[tilespmem:$0x18400] =	vst v63  }
0x48d: {  	s30 =	simm.s32 $0x4400  }
0x48e: {  	[tilespmem:s30], [sflag:$0x1] =	stream.indirect_vreg.gather [hbm4b:s6+s3], $0x80, v4, vm0, $0xb8;
	[tilespmem:$0x18400] =	vst v63  }
0x48f: {  	s31 =	simm.s32 $0x4C00  }
0x490: {  	[tilespmem:s31], [sflag:$0x1] =	stream.indirect_vreg.gather [hbm4b:s1+s3], $0x80, v3, vm0, $0xb8;
	[tilespmem:$0x18400] =	vst v63  }
0x491: {  	s7 =	simm.s32 $0x5400  }
0x492: {  	[tilespmem:s7], [sflag:$0x1] =	stream.indirect_vreg.gather [hbm4b:s5+s3], $0x80, v3, vm0, $0xb8;
	[tilespmem:$0x18400] =	vst v63  }
0x493: {  	s31 =	simm.s32 $0x5C00  }
0x494: {  	[tilespmem:s31], [sflag:$0x1] =	stream.indirect_vreg.gather [hbm4b:s6+s3], $0x80, v3, vm0, $0xb8;
	[tilespmem:$0x18400] =	vst v63  }
0x495: {  	v3 =	vld [tilespmem:$0x3A0];
	_ =	sdelay $0x4  }
0x496: {  	v58 =	vshrl.u32 v3, $0x3  }
0x497: {  	v4 =	vmul.u32 $0x30, v58  }
0x498: {  	v3 =	vand.u32 $0x7, v3  }
0x499: {  	v3 =	vor.u32 v3, v4  }
0x49a: {  	v4 =	vperm.xlane v3, v0;
	_ =	sdelay $0x1  }
0x49b: {  	v4 =	vadd.s32 v1, v4;
	_ =	sdelay $0x3  }
0x49c: {  	s7 =	simm.s32 $0x6400;
	v3 =	vperm.xlane v3, v2  }
0x49d: {  	[tilespmem:s7], [sflag:$0x1] =	stream.indirect_vreg.gather [hbm4b:s1+s3], $0x80, v4, vm0, $0xb8;
	[tilespmem:$0x18400] =	vst v63  }
0x49e: {  	s9 =	simm.s32 $0x6C00;
	v3 =	vadd.s32 v1, v3  }
0x49f: {  	[tilespmem:s9], [sflag:$0x1] =	stream.indirect_vreg.gather [hbm4b:s5+s3], $0x80, v4, vm0, $0xb8;
	[tilespmem:$0x18400] =	vst v63  }
0x4a0: {  	s10 =	simm.s32 $0x7400  }
0x4a1: {  	[tilespmem:s10], [sflag:$0x1] =	stream.indirect_vreg.gather [hbm4b:s6+s3], $0x80, v4, vm0, $0xb8;
	[tilespmem:$0x18400] =	vst v63  }
0x4a2: {  	s11 =	simm.s32 $0x7C00  }
0x4a3: {  	[tilespmem:s11], [sflag:$0x1] =	stream.indirect_vreg.gather [hbm4b:s1+s3], $0x80, v3, vm0, $0xb8;
	[tilespmem:$0x18400] =	vst v63  }
0x4a4: {  	s12 =	simm.s32 $0x8400  }
0x4a5: {  	[tilespmem:s12], [sflag:$0x1] =	stream.indirect_vreg.gather [hbm4b:s5+s3], $0x80, v3, vm0, $0xb8;
	[tilespmem:$0x18400] =	vst v63  }
0x4a6: {  	s8 =	simm.s32 $0x8C00  }
0x4a7: {  	[tilespmem:s8], [sflag:$0x1] =	stream.indirect_vreg.gather [hbm4b:s6+s3], $0x80, v3, vm0, $0xb8;
	[tilespmem:$0x18400] =	vst v63  }
0x4a8: {  	v3 =	vld [tilespmem:$0x3B0];
	_ =	sdelay $0x4  }
0x4a9: {  	v59 =	vshrl.u32 v3, $0x3  }
0x4aa: {  	v4 =	vmul.u32 $0x30, v59  }
0x4ab: {  	v3 =	vand.u32 $0x7, v3  }
0x4ac: {  	v3 =	vor.u32 v3, v4  }
0x4ad: {  	v4 =	vperm.xlane v3, v0;
	_ =	sdelay $0x1  }
0x4ae: {  	v4 =	vadd.s32 v1, v4;
	_ =	sdelay $0x3  }
0x4af: {  	s9 =	simm.s32 $0x9400;
	v3 =	vperm.xlane v3, v2  }
0x4b0: {  	[tilespmem:s9], [sflag:$0x1] =	stream.indirect_vreg.gather [hbm4b:s1+s3], $0x80, v4, vm0, $0xb8;
	[tilespmem:$0x18400] =	vst v63  }
0x4b1: {  	s13 =	simm.s32 $0x9C00;
	v3 =	vadd.s32 v1, v3  }
0x4b2: {  	[tilespmem:s13], [sflag:$0x1] =	stream.indirect_vreg.gather [hbm4b:s5+s3], $0x80, v4, vm0, $0xb8;
	[tilespmem:$0x18400] =	vst v63  }
0x4b3: {  	s14 =	simm.s32 $0xA400  }
0x4b4: {  	[tilespmem:s14], [sflag:$0x1] =	stream.indirect_vreg.gather [hbm4b:s6+s3], $0x80, v4, vm0, $0xb8;
	[tilespmem:$0x18400] =	vst v63  }
0x4b5: {  	s15 =	simm.s32 $0xAC00  }
0x4b6: {  	[tilespmem:s15], [sflag:$0x1] =	stream.indirect_vreg.gather [hbm4b:s1+s3], $0x80, v3, vm0, $0xb8;
	[tilespmem:$0x18400] =	vst v63  }
0x4b7: {  	s10 =	simm.s32 $0xB400  }
0x4b8: {  	[tilespmem:s10], [sflag:$0x1] =	stream.indirect_vreg.gather [hbm4b:s5+s3], $0x80, v3, vm0, $0xb8;
	[tilespmem:$0x18400] =	vst v63  }
0x4b9: {  	s11 =	simm.s32 $0xBC00  }
0x4ba: {  	[tilespmem:s11], [sflag:$0x1] =	stream.indirect_vreg.gather [hbm4b:s6+s3], $0x80, v3, vm0, $0xb8;
	[tilespmem:$0x18400] =	vst v63  }
0x4bb: {  	v3 =	vld [tilespmem:$0x3C0];
	_ =	sdelay $0x4  }
0x4bc: {  	v60 =	vshrl.u32 v3, $0x3  }
0x4bd: {  	v4 =	vmul.u32 $0x30, v60  }
0x4be: {  	v3 =	vand.u32 $0x7, v3  }
0x4bf: {  	v3 =	vor.u32 v3, v4  }
0x4c0: {  	v4 =	vperm.xlane v3, v0;
	_ =	sdelay $0x1  }
0x4c1: {  	v4 =	vadd.s32 v1, v4;
	_ =	sdelay $0x3  }
0x4c2: {  	s12 =	simm.s32 $0xC400;
	v3 =	vperm.xlane v3, v2  }
0x4c3: {  	[tilespmem:s12], [sflag:$0x1] =	stream.indirect_vreg.gather [hbm4b:s1+s3], $0x80, v4, vm0, $0xb8;
	[tilespmem:$0x18400] =	vst v63  }
0x4c4: {  	s17 =	simm.s32 $0xCC00;
	v3 =	vadd.s32 v1, v3  }
0x4c5: {  	[tilespmem:s17], [sflag:$0x1] =	stream.indirect_vreg.gather [hbm4b:s5+s3], $0x80, v4, vm0, $0xb8;
	[tilespmem:$0x18400] =	vst v63  }
0x4c6: {  	s18 =	simm.s32 $0xD400  }
0x4c7: {  	[tilespmem:s18], [sflag:$0x1] =	stream.indirect_vreg.gather [hbm4b:s6+s3], $0x80, v4, vm0, $0xb8;
	[tilespmem:$0x18400] =	vst v63  }
0x4c8: {  	s19 =	simm.s32 $0xDC00  }
0x4c9: {  	[tilespmem:s19], [sflag:$0x1] =	stream.indirect_vreg.gather [hbm4b:s1+s3], $0x80, v3, vm0, $0xb8;
	[tilespmem:$0x18400] =	vst v63  }
0x4ca: {  	s20 =	simm.s32 $0xE400  }
0x4cb: {  	[tilespmem:s20], [sflag:$0x1] =	stream.indirect_vreg.gather [hbm4b:s5+s3], $0x80, v3, vm0, $0xb8;
	[tilespmem:$0x18400] =	vst v63  }
0x4cc: {  	s14 =	simm.s32 $0xEC00  }
0x4cd: {  	[tilespmem:s14], [sflag:$0x1] =	stream.indirect_vreg.gather [hbm4b:s6+s3], $0x80, v3, vm0, $0xb8;
	[tilespmem:$0x18400] =	vst v63  }
0x4ce: {  	v3 =	vld [tilespmem:$0x3D0];
	_ =	sdelay $0x4  }
0x4cf: {  	v61 =	vshrl.u32 v3, $0x3  }
0x4d0: {  	v4 =	vmul.u32 $0x30, v61  }
0x4d1: {  	v3 =	vand.u32 $0x7, v3  }
0x4d2: {  	v3 =	vor.u32 v3, v4  }
0x4d3: {  	v4 =	vperm.xlane v3, v0;
	_ =	sdelay $0x1  }
0x4d4: {  	v4 =	vadd.s32 v1, v4;
	_ =	sdelay $0x3  }
0x4d5: {  	s15 =	simm.s32 $0xF400;
	v3 =	vperm.xlane v3, v2  }
0x4d6: {  	[tilespmem:s15], [sflag:$0x1] =	stream.indirect_vreg.gather [hbm4b:s1+s3], $0x80, v4, vm0, $0xb8;
	[tilespmem:$0x18400] =	vst v63  }
0x4d7: {  	s21 =	simm.s32 $0xFC00;
	v3 =	vadd.s32 v1, v3  }
0x4d8: {  	[tilespmem:s21], [sflag:$0x1] =	stream.indirect_vreg.gather [hbm4b:s5+s3], $0x80, v4, vm0, $0xb8;
	[tilespmem:$0x18400] =	vst v63  }
0x4d9: {  	s22 =	simm.s32 $0x10400  }
0x4da: {  	[tilespmem:s22], [sflag:$0x1] =	stream.indirect_vreg.gather [hbm4b:s6+s3], $0x80, v4, vm0, $0xb8;
	[tilespmem:$0x18400] =	vst v63  }
0x4db: {  	s23 =	simm.s32 $0x10C00  }
0x4dc: {  	[tilespmem:s23], [sflag:$0x1] =	stream.indirect_vreg.gather [hbm4b:s1+s3], $0x80, v3, vm0, $0xb8;
	[tilespmem:$0x18400] =	vst v63  }
0x4dd: {  	s24 =	simm.s32 $0x11400  }
0x4de: {  	[tilespmem:s24], [sflag:$0x1] =	stream.indirect_vreg.gather [hbm4b:s5+s3], $0x80, v3, vm0, $0xb8;
	[tilespmem:$0x18400] =	vst v63  }
0x4df: {  	s17 =	simm.s32 $0x11C00  }
0x4e0: {  	[tilespmem:s17], [sflag:$0x1] =	stream.indirect_vreg.gather [hbm4b:s6+s3], $0x80, v3, vm0, $0xb8;
	[tilespmem:$0x18400] =	vst v63  }
0x4e1: {  	v3 =	vld [tilespmem:$0x3E0];
	_ =	sdelay $0x4  }
0x4e2: {  	v62 =	vshrl.u32 v3, $0x3  }
0x4e3: {  	v4 =	vmul.u32 $0x30, v62  }
0x4e4: {  	v3 =	vand.u32 $0x7, v3  }
0x4e5: {  	v3 =	vor.u32 v3, v4  }
0x4e6: {  	v4 =	vperm.xlane v3, v0;
	_ =	sdelay $0x1  }
0x4e7: {  	v4 =	vadd.s32 v1, v4;
	_ =	sdelay $0x3  }
0x4e8: {  	s18 =	simm.s32 $0x12400;
	v3 =	vperm.xlane v3, v2  }
0x4e9: {  	[tilespmem:s18], [sflag:$0x1] =	stream.indirect_vreg.gather [hbm4b:s1+s3], $0x80, v4, vm0, $0xb8;
	[tilespmem:$0x18400] =	vst v63  }
0x4ea: {  	s19 =	simm.s32 $0x12C00;
	v3 =	vadd.s32 v1, v3  }
0x4eb: {  	[tilespmem:s19], [sflag:$0x1] =	stream.indirect_vreg.gather [hbm4b:s5+s3], $0x80, v4, vm0, $0xb8;
	[tilespmem:$0x18400] =	vst v63  }
0x4ec: {  	s20 =	simm.s32 $0x13400  }
0x4ed: {  	[tilespmem:s20], [sflag:$0x1] =	stream.indirect_vreg.gather [hbm4b:s6+s3], $0x80, v4, vm0, $0xb8;
	[tilespmem:$0x18400] =	vst v63  }
0x4ee: {  	s21 =	simm.s32 $0x13C00  }
0x4ef: {  	[tilespmem:s21], [sflag:$0x1] =	stream.indirect_vreg.gather [hbm4b:s1+s3], $0x80, v3, vm0, $0xb8;
	[tilespmem:$0x18400] =	vst v63  }
0x4f0: {  	s22 =	simm.s32 $0x14400  }
0x4f1: {  	[tilespmem:s22], [sflag:$0x1] =	stream.indirect_vreg.gather [hbm4b:s5+s3], $0x80, v3, vm0, $0xb8;
	[tilespmem:$0x18400] =	vst v63  }
0x4f2: {  	s23 =	simm.s32 $0x14C00  }
0x4f3: {  	[tilespmem:s23], [sflag:$0x1] =	stream.indirect_vreg.gather [hbm4b:s6+s3], $0x80, v3, vm0, $0xb8;
	[tilespmem:$0x18400] =	vst v63  }
0x4f4: {  	v3 =	vld [tilespmem:$0x3F0];
	_ =	sdelay $0x4  }
0x4f5: {  	v63 =	vshrl.u32 v3, $0x3  }
0x4f6: {  	v4 =	vmul.u32 $0x30, v63  }
0x4f7: {  	v3 =	vand.u32 $0x7, v3  }
0x4f8: {  	v3 =	vor.u32 v3, v4  }
0x4f9: {  	v4 =	vperm.xlane v3, v0;
	_ =	sdelay $0x1  }
0x4fa: {  	v4 =	vadd.s32 v1, v4;
	_ =	sdelay $0x3  }
0x4fb: {  	s24 =	simm.s32 $0x15400;
	v3 =	vperm.xlane v3, v2  }
0x4fc: {  	[tilespmem:s24], [sflag:$0x1] =	stream.indirect_vreg.gather [hbm4b:s1+s3], $0x80, v4, vm0, $0xb8;
	[tilespmem:$0x18400] =	vst v63  }
0x4fd: {  	s25 =	simm.s32 $0x15C00;
	v3 =	vadd.s32 v1, v3  }
0x4fe: {  	[tilespmem:s25], [sflag:$0x1] =	stream.indirect_vreg.gather [hbm4b:s5+s3], $0x80, v4, vm0, $0xb8;
	[tilespmem:$0x18400] =	vst v63  }
0x4ff: {  	s26 =	simm.s32 $0x16400  }
0x500: {  	[tilespmem:s26], [sflag:$0x1] =	stream.indirect_vreg.gather [hbm4b:s6+s3], $0x80, v4, vm0, $0xb8;
	[tilespmem:$0x18400] =	vst v63  }
0x501: {  	s28 =	simm.s32 $0x16C00  }
0x502: {  	[tilespmem:s28], [sflag:$0x1] =	stream.indirect_vreg.gather [hbm4b:s1+s3], $0x80, v3, vm0, $0xb8;
	[tilespmem:$0x18400] =	vst v63  }
0x503: {  	s29 =	simm.s32 $0x17400  }
0x504: {  	[tilespmem:s29], [sflag:$0x1] =	stream.indirect_vreg.gather [hbm4b:s5+s3], $0x80, v3, vm0, $0xb8;
	[tilespmem:$0x18400] =	vst v63  }
0x505: {  	s30 =	simm.s32 $0x17C00  }
0x506: {  	[tilespmem:s30], [sflag:$0x1] =	stream.indirect_vreg.gather [hbm4b:s6+s3], $0x80, v3, vm0, $0xb8;
	[tilespmem:$0x18400] =	vst v63  }
0x507: {  	s13 =	rddreg [dreg:$0xd];
	_ =	swait.ge [sflag:s0], $0x18000  }
0x508: {  	p0 =	sne.s32 s13, $0x1;
	[sflag:s0] =	ssyncset.done $0x0  }
.Ltmp0:
0x509: {  	s31 =	rddreg [dreg:$0xb];
	[sflag:s0] =	ssyncadd.s32 $0xFFFE8000;
	(pc) =	sbr.rel @p0 .LBB2_1-.Ltmp0, $4  }
0x50a: {  	[hbm4b:s31+s3] =	stream.linear.scatter [tilespmem:s16], [sflag:$0x2], $0x18000, $0x38;
	[tilespmem:$0x18400] =	vst v63  }
0x50b: {  	_ =	swait.ge [sflag:s4], $0x18000  }
0x50c: {  	[sflag:s4] =	ssyncset.done $0x0  }
0x50d: {  	s2 =	sadd.s32 $0xFFFFFFFF, s13;
	[sflag:s4] =	ssyncadd.s32 $0xFFFE8000  }
0x50e: {  	_ =	sfence.sel $0x180000  }
0x50f: {  	[bflag:$0x0] =	sbarrier.arrive $0xFFFF  }
0x510: {  	_ =	strace $0x90000047  }
0x511: {  	s0 =	stileid.u32;
	[bflag:$0x2] =	sbarrier.arrive $0xFFFF  }
0x512: {  	p0 =	sne.s32 s0, $0x0;
	s0 =	rddreg [dreg:$0x3]  }
0x513: {  	s0 =	sadd.s32 @!p0 $0x100000, s0  }
0x514: {  	[sflag:s0] =	ssyncadd.tile.s32 @!p0 $0x1;
	_ =	shalt  }
.Lfunc_end2:
_tile_overlayer_lowered:
.L_overlay_start_2:
0x515: {  	(tag) =	ssettag $0x2  }
0x516: {  	s0 =	rddreg [dreg:$0x0];
	s2 =	stileid.u32  }
0x517: {  	s1 =	rddreg [dreg:$0x1];
	p0 =	sne.s32 s2, $0x0  }
0x518: {  	s3 =	rddreg [dreg:$0x2];
	[bflag:$0x3] =	sbarrier.arrive $0xFFFF;
	s2 =	simm.s32 @!p0 $0x1C03  }
0x519: {  	[timem:s3], [sflag:s2] =	dma.local @!p0 [hbm:s0], s1  }
0x51a: {  	s0 =	simm.s32 @!p0 $0x3  }
0x51b: {  	_ =	swait.ge @!p0 [sflag:s0], s1  }
0x51c: {  	s1 =	ssub.s32 @!p0 $0x0, s1;
	[sflag:s0] =	ssyncset.done @!p0 $0x0  }
0x51d: {  	[sflag:s0] =	ssyncadd.s32 @!p0 s1  }
0x51e: {  	[bflag:$0x3] =	sbarrier.arrive $0xFFFF  }
0x51f: {  	_ =	shalt  }

</sc_bundles>
